<compile_context>
chip_gen: v7x
topology: tpu7x:2x2x1
jax: 0.10.2.dev20260603
libtpu: 0.0.44.dev20260713+nightly
codegen_flags: <defaults>
</compile_context>

<pallas_src>
import jax
import jax.numpy as jnp
from jax import lax
from jax.experimental import pallas as pl
from jax.experimental.pallas import tpu as pltpu
from jax.experimental.pallas import tpu_sc as plsc

_B = 128
_N = 32768
_OUT_DIM = 8192
_DPC = 4
_BOOST_STRENGTH = 1.0
_TARGET_DENSITY = float(_OUT_DIM) / _N

_NC = 2
_NS = 16
_NW = _NC * _NS
_GPW = _OUT_DIM // _NW
_WSPAN = (_DPC - 1) * _GPW
_WPAD = _WSPAN + 128
_XLEN = _DPC * _GPW
_R = 8
_NCHUNK = _B // _R
_NBLK = _GPW // 16


def _dkw_body(x_hbm, duty_hbm, out_hbm,
              dv, bf_tile, xw0, xw1, xo0, xo1, ob0, ob1,
              sem_w0, sem_w1, sem_o0, sem_o1, sem_out0, sem_out1):
  wid = lax.axis_index("s") * _NC + lax.axis_index("c")
  wcol = wid * _WSPAN
  xcol = wid * _XLEN

  iota = lax.iota(jnp.int32, 16)
  iota3 = iota * (_DPC - 1)

  xw = (xw0, xw1)
  xo = (xo0, xo1)
  ob = (ob0, ob1)
  sem_w = (sem_w0, sem_w1)
  sem_o = (sem_o0, sem_o1)
  sem_out = (sem_out0, sem_out1)

  def in_copies(c, s):
    rows = pl.ds(c * _R, _R)
    return [
        pltpu.make_async_copy(
            x_hbm.at[rows, pl.ds(wcol, _WPAD)], xw[s], sem_w[s]),
        pltpu.make_async_copy(
            x_hbm.at[rows, pl.ds(xcol, _XLEN)], xo[s], sem_o[s]),
    ]

  def out_copies(c, s):
    rows = pl.ds(c * _R, _R)
    return [pltpu.make_async_copy(
        ob[s], out_hbm.at[rows, pl.ds(xcol, _XLEN)], sem_out[s])]

  dnums = lax.GatherDimensionNumbers(
      offset_dims=(), collapsed_slice_dims=(0,), start_index_map=(0,))

  def vgather(v, idx):
    return lax.gather(v, idx[:, None], dnums, (1,),
                      mode=lax.GatherScatterMode.PROMISE_IN_BOUNDS)

  perm_base = iota // 4
  slot = iota - perm_base * 4

  def compute(s):
    xw_s, xo_s, ob_s = xw[s], xo[s], ob[s]

    @plsc.parallel_loop(0, _NBLK)
    def _(blk):
      cw = iota3 + blk * 48
      ob_off = blk * 64
      bfv = [bf_tile[pl.ds(blk * 64 + j * 16, 16)] for j in range(_DPC)]

      @plsc.parallel_loop(0, _R, unroll=2)
      def _(r):
        rvec = jnp.full((16,), r, jnp.int32)
        m = plsc.load_gather(xw_s, [rvec, cw]) * bfv[0]
        ind = jnp.zeros((16,), jnp.int32)
        for j in range(1, _DPC):
          wj = plsc.load_gather(xw_s, [rvec, cw + j]) * bfv[j]
          gt = wj > m
          m = jnp.where(gt, wj, m)
          ind = jnp.where(gt, j, ind)
        z = jnp.zeros((16,), jnp.float32)
        for j in range(_DPC):
          indp = vgather(ind, perm_base + 4 * j)
          xov = xo_s[r, pl.ds(ob_off + j * 16, 16)]
          ob_s[r, pl.ds(ob_off + j * 16, 16)] = jnp.where(indp == slot, xov, z)

  def bf_prologue():
    pltpu.sync_copy(duty_hbm.at[pl.ds(wcol, _WPAD)], dv)

    @pl.loop(0, _WPAD // 16)
    def _(i):
      v = dv[pl.ds(i * 16, 16)]
      dv[pl.ds(i * 16, 16)] = jnp.exp((_TARGET_DENSITY - v) * _BOOST_STRENGTH)

    @pl.loop(0, _NBLK)
    def _(blk):
      base = blk * 48
      for j in range(_DPC):
        vals = plsc.load_gather(dv, [iota3 + (base + j)])
        bf_tile[pl.ds(blk * 64 + j * 16, 16)] = vals

  for cp in in_copies(0, 0):
    cp.start()
  for cp in in_copies(1, 1):
    cp.start()
  bf_prologue()

  @pl.loop(0, _NCHUNK // 2)
  def _(p):
    a = 2 * p
    b = 2 * p + 1

    @pl.when(p > 0)
    def _():
      for cp in in_copies(b, 1):
        cp.start()
    for cp in in_copies(a, 0):
      cp.wait()

    @pl.when(p > 0)
    def _():
      for cp in out_copies(a - 2, 0):
        cp.wait()
    compute(0)
    for cp in out_copies(a, 0):
      cp.start()

    @pl.when(p < _NCHUNK // 2 - 1)
    def _():
      for cp in in_copies(b + 1, 0):
        cp.start()
    for cp in in_copies(b, 1):
      cp.wait()

    @pl.when(p > 0)
    def _():
      for cp in out_copies(b - 2, 1):
        cp.wait()
    compute(1)
    for cp in out_copies(b, 1):
      cp.start()

  for cp in out_copies(_NCHUNK - 2, 0):
    cp.wait()
  for cp in out_copies(_NCHUNK - 1, 1):
    cp.wait()


def kernel(x, duty_cycle):
  mesh = plsc.VectorSubcoreMesh(core_axis_name="c", subcore_axis_name="s")
  scratch = [
      pltpu.VMEM((_WPAD,), jnp.float32),
      pltpu.VMEM((_NBLK * 64,), jnp.float32),
      pltpu.VMEM((_R, _WPAD), jnp.float32),
      pltpu.VMEM((_R, _WPAD), jnp.float32),
      pltpu.VMEM((_R, _XLEN), jnp.float32),
      pltpu.VMEM((_R, _XLEN), jnp.float32),
      pltpu.VMEM((_R, _XLEN), jnp.float32),
      pltpu.VMEM((_R, _XLEN), jnp.float32),
      pltpu.SemaphoreType.DMA,
      pltpu.SemaphoreType.DMA,
      pltpu.SemaphoreType.DMA,
      pltpu.SemaphoreType.DMA,
      pltpu.SemaphoreType.DMA,
      pltpu.SemaphoreType.DMA,
  ]
  run = pl.kernel(
      _dkw_body,
      out_type=jax.ShapeDtypeStruct((_B, _N), jnp.float32),
      mesh=mesh,
      scratch_types=scratch,
      compiler_params=pltpu.CompilerParams(
          needs_layout_passes=False, use_tc_tiling_on_sc=True),
  )
  return run(x, duty_cycle)

# --- scband reference (transcript-rebuilt; emitter-appended) ---
"""Pipeline reference for scband-dkwinners-14362370638087 (READ-ONLY COPY).

The authoritative reference and input builder live on the scoring server;
editing this copy changes nothing except your own understanding.
"""

import jax, jax.numpy as jnp
import numpy as np

B = 128
N = 32768
OUT_DIM = 8192
DPC = 4
BOOST_STRENGTH = 1.0


def setup_inputs(seed: int = 0) -> dict:
    key = jax.random.key(seed)
    x = jax.random.normal(key, (B, N), dtype=jnp.float32)
    # duty_cycle buffer, initialized to zeros as in the module
    duty_cycle = jnp.zeros((N,), dtype=jnp.float32)
    return {"x": x, "duty_cycle": duty_cycle}


def reference(x, duty_cycle):
    # Training-mode forward: GenericKWinners.apply(x, duty_cycle, out_dim, dpc, boost_strength)
    k = OUT_DIM
    # boost_strength > 0 branch
    target_density = float(k) / x.shape[1]
    boost_factors = jnp.exp((target_density - duty_cycle) * BOOST_STRENGTH)
    boosted = jax.lax.stop_gradient(x) * boost_factors  # x.detach() * boost_factors
    # for k in range(out_dim): ind = argmax(boosted[:, k*(dpc-1):k*(dpc-1)+dpc], dim=1)
    starts = jnp.arange(OUT_DIM) * (DPC - 1)            # [OUT_DIM]
    win_idx = starts[:, None] + jnp.arange(DPC)[None, :]  # [OUT_DIM, DPC] overlapping windows
    windows = boosted[:, win_idx]                        # gather -> [B, OUT_DIM, DPC]
    ind = jnp.argmax(windows, axis=2)                    # [B, OUT_DIM]
    # intended semantics of mask[:, k, ind].fill_(1.0): one-hot winner per (row, group)
    mask3 = jax.nn.one_hot(ind, DPC, dtype=x.dtype)      # [B, OUT_DIM, DPC]
    mask = mask3.reshape(x.shape[0], OUT_DIM * DPC)      # [B, N]
    res = mask * x
    return res

if __name__ == "__main__":
    import jax
    _d = setup_inputs()
    print(jax.jit(kernel)(*tuple(_d.values())))

</pallas_src>

<mosaic_0001>
#map = affine_map<(d0, d1) -> (0, 0)>
#map1 = affine_map<(d0, d1) -> (0)>
module attributes {stable_mosaic.version = 14 : i64} {
  func.func @_dkw_body(%arg0: i32, %arg1: i32, %arg2: memref<128x32768xf32, #tpu.memory_space<hbm>>, %arg3: memref<32768xf32, #tpu.memory_space<hbm>>, %arg4: memref<128x32768xf32, #tpu.memory_space<hbm>>, %arg5: memref<896xf32, #tpu.memory_space<vmem>>, %arg6: memref<1024xf32, #tpu.memory_space<vmem>>, %arg7: memref<8x896xf32, #tpu.memory_space<vmem>>, %arg8: memref<8x896xf32, #tpu.memory_space<vmem>>, %arg9: memref<8x1024xf32, #tpu.memory_space<vmem>>, %arg10: memref<8x1024xf32, #tpu.memory_space<vmem>>, %arg11: memref<8x1024xf32, #tpu.memory_space<vmem>>, %arg12: memref<8x1024xf32, #tpu.memory_space<vmem>>, %arg13: memref<!tpu.dma_semaphore, #tpu.memory_space<semaphore_mem>>, %arg14: memref<!tpu.dma_semaphore, #tpu.memory_space<semaphore_mem>>, %arg15: memref<!tpu.dma_semaphore, #tpu.memory_space<semaphore_mem>>, %arg16: memref<!tpu.dma_semaphore, #tpu.memory_space<semaphore_mem>>, %arg17: memref<!tpu.dma_semaphore, #tpu.memory_space<semaphore_mem>>, %arg18: memref<!tpu.dma_semaphore, #tpu.memory_space<semaphore_mem>>) attributes {dimension_semantics = [#tpu.dimension_semantics<core_parallel>, #tpu.dimension_semantics<subcore_parallel>], iteration_bounds = array<i64: 2, 16>, scalar_prefetch = 0 : i64, scratch_operands = 14 : i64, tpu.core_type = #tpu.core_type<sc_vector_subcore>, window_params = [{transform_indices = #map}, {transform_indices = #map1}, {transform_indices = #map}]} {
    %mul3A = arith.constant 2 : i32
    %mul3A_0 = arith.muli %arg1, %mul3A : i32
    %add3A = arith.addi %mul3A_0, %arg0 : i32
    %mul3A_1 = arith.constant 768 : i32
    %mul3A_2 = arith.muli %add3A, %mul3A_1 : i32
    %mul3A_3 = arith.constant 1024 : i32
    %mul3A_4 = arith.muli %add3A, %mul3A_3 : i32
    %iota3A = tpu.iota {dimensions = array<i32: 0>} : vector<16xi32>
    %mul3A_5 = arith.constant 3 : i32
    %mul3A_6 = vector.broadcast %mul3A_5 : i32 to vector<16xi32>
    %mul3A_7 = arith.muli %iota3A, %mul3A_6 : vector<16xi32>
    %jit3A = arith.constant 4 : i32
    %div3A = vector.broadcast %jit3A : i32 to vector<16xi32>
    %div3A_8 = arith.divsi %iota3A, %div3A : vector<16xi32>
    %sign3A = arith.constant 0 : i32
    %sign3A_9 = vector.broadcast %sign3A : i32 to vector<16xi32>
    %sign3A_10 = arith.cmpi sgt, %iota3A, %sign3A_9 : vector<16xi32>
    %sign3A_11 = arith.extui %sign3A_10 : vector<16xi1> to vector<16xi32>
    %sign3A_12 = arith.constant 0 : i32
    %sign3A_13 = vector.broadcast %sign3A_12 : i32 to vector<16xi32>
    %sign3A_14 = arith.cmpi slt, %iota3A, %sign3A_13 : vector<16xi32>
    %sign3A_15 = arith.extui %sign3A_14 : vector<16xi1> to vector<16xi32>
    %sign3A_16 = arith.subi %sign3A_11, %sign3A_15 : vector<16xi32>
    %sign3A_17 = arith.constant 0 : i32
    %sign3A_18 = arith.cmpi sgt, %jit3A, %sign3A_17 : i32
    %sign3A_19 = arith.extui %sign3A_18 : i1 to i32
    %sign3A_20 = arith.constant 0 : i32
    %sign3A_21 = arith.cmpi slt, %jit3A, %sign3A_20 : i32
    %sign3A_22 = arith.extui %sign3A_21 : i1 to i32
    %sign3A_23 = arith.subi %sign3A_19, %sign3A_22 : i32
    %ne3A = vector.broadcast %sign3A_23 : i32 to vector<16xi32>
    %ne3A_24 = arith.cmpi ne, %sign3A_16, %ne3A : vector<16xi32>
    %rem3A = vector.broadcast %jit3A : i32 to vector<16xi32>
    %rem3A_25 = arith.remsi %iota3A, %rem3A : vector<16xi32>
    %ne3A_26 = arith.constant 0 : i32
    %ne3A_27 = vector.broadcast %ne3A_26 : i32 to vector<16xi32>
    %ne3A_28 = arith.cmpi ne, %rem3A_25, %ne3A_27 : vector<16xi32>
    %and3A = arith.andi %ne3A_24, %ne3A_28 : vector<16xi1>
    %sub3A = arith.constant 1 : i32
    %sub3A_29 = vector.broadcast %sub3A : i32 to vector<16xi32>
    %sub3A_30 = arith.subi %div3A_8, %sub3A_29 : vector<16xi32>
    %select_n3A = arith.select %and3A, %sub3A_30, %div3A_8 : vector<16xi1>, vector<16xi32>
    %mul3A_31 = arith.constant 4 : i32
    %mul3A_32 = vector.broadcast %mul3A_31 : i32 to vector<16xi32>
    %mul3A_33 = arith.muli %select_n3A, %mul3A_32 : vector<16xi32>
    %sub3A_34 = arith.subi %iota3A, %mul3A_33 : vector<16xi32>
    %dma_start3A = arith.constant 0 : i32
    %dma_start3A_35 = tpu.memref_slice %arg2[%dma_start3A, %mul3A_2] : memref<128x32768xf32, #tpu.memory_space<hbm>> -> memref<8x896xf32, #tpu.memory_space<hbm>>
    %dma_start3A_36 = arith.constant 0 : i32
    %dma_start3A_37 = tpu.memref_slice %arg2[%dma_start3A_36, %mul3A_2] : memref<128x32768xf32, #tpu.memory_space<hbm>> -> memref<8x896xf32, #tpu.memory_space<hbm>>
    tpu.enqueue_dma source(%dma_start3A_37 : memref<8x896xf32, #tpu.memory_space<hbm>>) target(%arg7 : memref<8x896xf32, #tpu.memory_space<vmem>>) target_semaphore(%arg13 : memref<!tpu.dma_semaphore, #tpu.memory_space<semaphore_mem>>)
    %dma_start3A_38 = arith.constant 0 : i32
    %dma_start3A_39 = tpu.memref_slice %arg2[%dma_start3A_38, %mul3A_4] : memref<128x32768xf32, #tpu.memory_space<hbm>> -> memref<8x1024xf32, #tpu.memory_space<hbm>>
    %dma_start3A_40 = arith.constant 0 : i32
    %dma_start3A_41 = tpu.memref_slice %arg2[%dma_start3A_40, %mul3A_4] : memref<128x32768xf32, #tpu.memory_space<hbm>> -> memref<8x1024xf32, #tpu.memory_space<hbm>>
    tpu.enqueue_dma source(%dma_start3A_41 : memref<8x1024xf32, #tpu.memory_space<hbm>>) target(%arg9 : memref<8x1024xf32, #tpu.memory_space<vmem>>) target_semaphore(%arg15 : memref<!tpu.dma_semaphore, #tpu.memory_space<semaphore_mem>>)
    %dma_start3A_42 = arith.constant 8 : i32
    %dma_start3A_43 = tpu.memref_slice %arg2[%dma_start3A_42, %mul3A_2] : memref<128x32768xf32, #tpu.memory_space<hbm>> -> memref<8x896xf32, #tpu.memory_space<hbm>>
    %dma_start3A_44 = arith.constant 8 : i32
    %dma_start3A_45 = tpu.memref_slice %arg2[%dma_start3A_44, %mul3A_2] : memref<128x32768xf32, #tpu.memory_space<hbm>> -> memref<8x896xf32, #tpu.memory_space<hbm>>
    tpu.enqueue_dma source(%dma_start3A_45 : memref<8x896xf32, #tpu.memory_space<hbm>>) target(%arg8 : memref<8x896xf32, #tpu.memory_space<vmem>>) target_semaphore(%arg14 : memref<!tpu.dma_semaphore, #tpu.memory_space<semaphore_mem>>)
    %dma_start3A_46 = arith.constant 8 : i32
    %dma_start3A_47 = tpu.memref_slice %arg2[%dma_start3A_46, %mul3A_4] : memref<128x32768xf32, #tpu.memory_space<hbm>> -> memref<8x1024xf32, #tpu.memory_space<hbm>>
    %dma_start3A_48 = arith.constant 8 : i32
    %dma_start3A_49 = tpu.memref_slice %arg2[%dma_start3A_48, %mul3A_4] : memref<128x32768xf32, #tpu.memory_space<hbm>> -> memref<8x1024xf32, #tpu.memory_space<hbm>>
    tpu.enqueue_dma source(%dma_start3A_49 : memref<8x1024xf32, #tpu.memory_space<hbm>>) target(%arg10 : memref<8x1024xf32, #tpu.memory_space<vmem>>) target_semaphore(%arg16 : memref<!tpu.dma_semaphore, #tpu.memory_space<semaphore_mem>>)
    "tpu.region"() ({
      %run_scoped3A = tpu.sem_alloc : memref<!tpu.dma_semaphore, #tpu.memory_space<semaphore_mem>>
      %dma_start3A_71 = tpu.memref_slice %arg3[%mul3A_2] : memref<32768xf32, #tpu.memory_space<hbm>> -> memref<896xf32, #tpu.memory_space<hbm>>
      %dma_start3A_72 = tpu.memref_slice %arg3[%mul3A_2] : memref<32768xf32, #tpu.memory_space<hbm>> -> memref<896xf32, #tpu.memory_space<hbm>>
      tpu.enqueue_dma source(%dma_start3A_72 : memref<896xf32, #tpu.memory_space<hbm>>) target(%arg5 : memref<896xf32, #tpu.memory_space<vmem>>) target_semaphore(%run_scoped3A : memref<!tpu.dma_semaphore, #tpu.memory_space<semaphore_mem>>)
      %dma_wait3A_73 = tpu.memref_slice %arg3[%mul3A_2] : memref<32768xf32, #tpu.memory_space<hbm>> -> memref<896xf32, #tpu.memory_space<hbm>>
      %dma_wait3A_74 = tpu.memref_slice %arg3[%mul3A_2] : memref<32768xf32, #tpu.memory_space<hbm>> -> memref<896xf32, #tpu.memory_space<hbm>>
      tpu.wait_dma2 semaphore(%run_scoped3A : memref<!tpu.dma_semaphore, #tpu.memory_space<semaphore_mem>>) src(%dma_wait3A_74 : memref<896xf32, #tpu.memory_space<hbm>>) dst(%arg5 : memref<896xf32, #tpu.memory_space<vmem>>)
      tpu.yield
    }) : () -> ()
    %scan3A = arith.constant 0 : i32
    %scan3A_50 = arith.constant 56 : i32
    %scan3A_51 = arith.addi %scan3A, %scan3A_50 : i32
    %scan3A_52 = arith.constant 1 : i32
    scf.for %scan3A_71 = %scan3A to %scan3A_51 step %scan3A_52  : i32 {
      %mul3A_72 = arith.constant 1 : i32
      %mul3A_73 = arith.muli %scan3A_71, %mul3A_72 : i32
      %add3A_74 = arith.constant 0 : i32
      %add3A_75 = arith.addi %add3A_74, %mul3A_73 : i32
      %mul3A_76 = arith.constant 16 : i32
      %mul3A_77 = arith.muli %add3A_75, %mul3A_76 : i32
      %get3A = arith.index_cast %mul3A_77 : i32 to index
      %get3A_78 = tpu.vector_load %arg5[%get3A] {strides = array<i32>} : memref<896xf32, #tpu.memory_space<vmem>>, vector<16xf32>,
      %sub3A_79 = arith.constant 2.500000e-01 : f32
      %sub3A_80 = vector.broadcast %sub3A_79 : f32 to vector<16xf32>
      %sub3A_81 = arith.subf %sub3A_80, %get3A_78 : vector<16xf32>
      %mul3A_82 = arith.constant 1.000000e+00 : f32
      %mul3A_83 = vector.broadcast %mul3A_82 : f32 to vector<16xf32>
      %mul3A_84 = arith.mulf %sub3A_81, %mul3A_83 : vector<16xf32>
      %exp3A = math.exp %mul3A_84 : vector<16xf32>
      %mul3A_85 = arith.constant 16 : i32
      %mul3A_86 = arith.muli %add3A_75, %mul3A_85 : i32
      %swap3A = arith.index_cast %mul3A_86 : i32 to index
      %swap3A_87 = tpu.vector_load %arg5[%swap3A] {strides = array<i32>} : memref<896xf32, #tpu.memory_space<vmem>>, vector<16xf32>,
      tpu.vector_store %arg5[%swap3A], %exp3A {strides = array<i32>} : memref<896xf32, #tpu.memory_space<vmem>>, vector<16xf32>,
    }
    %scan3A_53 = arith.constant 56 : i32
    %scan3A_54 = arith.constant 0 : i32
    %scan3A_55 = arith.constant 16 : i32
    %scan3A_56 = arith.addi %scan3A_54, %scan3A_55 : i32
    %scan3A_57 = arith.constant 1 : i32
    scf.for %scan3A_71 = %scan3A_54 to %scan3A_56 step %scan3A_57  : i32 {
      %mul3A_72 = arith.constant 1 : i32
      %mul3A_73 = arith.muli %scan3A_71, %mul3A_72 : i32
      %add3A_74 = arith.constant 0 : i32
      %add3A_75 = arith.addi %add3A_74, %mul3A_73 : i32
      %mul3A_76 = arith.constant 48 : i32
      %mul3A_77 = arith.muli %add3A_75, %mul3A_76 : i32
      %add3A_78 = arith.constant 0 : i32
      %add3A_79 = arith.addi %mul3A_77, %add3A_78 : i32
      %add3A_80 = vector.broadcast %add3A_79 : i32 to vector<16xi32>
      %add3A_81 = arith.addi %mul3A_7, %add3A_80 : vector<16xi32>
      %gather3A = tpu.vector_load_idx %arg5[%add3A_81] : memref<896xf32, #tpu.memory_space<vmem>>[vector<16xi32>], vector<16xf32>,
      %mul3A_82 = arith.constant 64 : i32
      %mul3A_83 = arith.muli %add3A_75, %mul3A_82 : i32
      %add3A_84 = arith.constant 0 : i32
      %add3A_85 = arith.addi %mul3A_83, %add3A_84 : i32
      %swap3A = arith.index_cast %add3A_85 : i32 to index
      %swap3A_86 = tpu.vector_load %arg6[%swap3A] {strides = array<i32>} : memref<1024xf32, #tpu.memory_space<vmem>>, vector<16xf32>,
      tpu.vector_store %arg6[%swap3A], %gather3A {strides = array<i32>} : memref<1024xf32, #tpu.memory_space<vmem>>, vector<16xf32>,
      %add3A_87 = arith.constant 1 : i32
      %add3A_88 = arith.addi %mul3A_77, %add3A_87 : i32
      %add3A_89 = vector.broadcast %add3A_88 : i32 to vector<16xi32>
      %add3A_90 = arith.addi %mul3A_7, %add3A_89 : vector<16xi32>
      %gather3A_91 = tpu.vector_load_idx %arg5[%add3A_90] : memref<896xf32, #tpu.memory_space<vmem>>[vector<16xi32>], vector<16xf32>,
      %mul3A_92 = arith.constant 64 : i32
      %mul3A_93 = arith.muli %add3A_75, %mul3A_92 : i32
      %add3A_94 = arith.constant 16 : i32
      %add3A_95 = arith.addi %mul3A_93, %add3A_94 : i32
      %swap3A_96 = arith.index_cast %add3A_95 : i32 to index
      %swap3A_97 = tpu.vector_load %arg6[%swap3A_96] {strides = array<i32>} : memref<1024xf32, #tpu.memory_space<vmem>>, vector<16xf32>,
      tpu.vector_store %arg6[%swap3A_96], %gather3A_91 {strides = array<i32>} : memref<1024xf32, #tpu.memory_space<vmem>>, vector<16xf32>,
      %add3A_98 = arith.constant 2 : i32
      %add3A_99 = arith.addi %mul3A_77, %add3A_98 : i32
      %add3A_100 = vector.broadcast %add3A_99 : i32 to vector<16xi32>
      %add3A_101 = arith.addi %mul3A_7, %add3A_100 : vector<16xi32>
      %gather3A_102 = tpu.vector_load_idx %arg5[%add3A_101] : memref<896xf32, #tpu.memory_space<vmem>>[vector<16xi32>], vector<16xf32>,
      %mul3A_103 = arith.constant 64 : i32
      %mul3A_104 = arith.muli %add3A_75, %mul3A_103 : i32
      %add3A_105 = arith.constant 32 : i32
      %add3A_106 = arith.addi %mul3A_104, %add3A_105 : i32
      %swap3A_107 = arith.index_cast %add3A_106 : i32 to index
      %swap3A_108 = tpu.vector_load %arg6[%swap3A_107] {strides = array<i32>} : memref<1024xf32, #tpu.memory_space<vmem>>, vector<16xf32>,
      tpu.vector_store %arg6[%swap3A_107], %gather3A_102 {strides = array<i32>} : memref<1024xf32, #tpu.memory_space<vmem>>, vector<16xf32>,
      %add3A_109 = arith.constant 3 : i32
      %add3A_110 = arith.addi %mul3A_77, %add3A_109 : i32
      %add3A_111 = vector.broadcast %add3A_110 : i32 to vector<16xi32>
      %add3A_112 = arith.addi %mul3A_7, %add3A_111 : vector<16xi32>
      %gather3A_113 = tpu.vector_load_idx %arg5[%add3A_112] : memref<896xf32, #tpu.memory_space<vmem>>[vector<16xi32>], vector<16xf32>,
      %mul3A_114 = arith.constant 64 : i32
      %mul3A_115 = arith.muli %add3A_75, %mul3A_114 : i32
      %add3A_116 = arith.constant 48 : i32
      %add3A_117 = arith.addi %mul3A_115, %add3A_116 : i32
      %swap3A_118 = arith.index_cast %add3A_117 : i32 to index
      %swap3A_119 = tpu.vector_load %arg6[%swap3A_118] {strides = array<i32>} : memref<1024xf32, #tpu.memory_space<vmem>>, vector<16xf32>,
      tpu.vector_store %arg6[%swap3A_118], %gather3A_113 {strides = array<i32>} : memref<1024xf32, #tpu.memory_space<vmem>>, vector<16xf32>,
    }
    %scan3A_58 = arith.constant 16 : i32
    %scan3A_59 = arith.constant 0 : i32
    %scan3A_60 = arith.constant 8 : i32
    %scan3A_61 = arith.addi %scan3A_59, %scan3A_60 : i32
    %scan3A_62 = arith.constant 1 : i32
    scf.for %scan3A_71 = %scan3A_59 to %scan3A_61 step %scan3A_62  : i32 {
      %mul3A_72 = arith.constant 1 : i32
      %mul3A_73 = arith.muli %scan3A_71, %mul3A_72 : i32
      %add3A_74 = arith.constant 0 : i32
      %add3A_75 = arith.addi %add3A_74, %mul3A_73 : i32
      %mul3A_76 = arith.constant 2 : i32
      %mul3A_77 = arith.muli %mul3A_76, %add3A_75 : i32
      %mul3A_78 = arith.constant 2 : i32
      %mul3A_79 = arith.muli %mul3A_78, %add3A_75 : i32
      %add3A_80 = arith.constant 1 : i32
      %add3A_81 = arith.addi %mul3A_79, %add3A_80 : i32
      %gt3A = arith.constant 0 : i32
      %gt3A_82 = arith.cmpi sgt, %add3A_75, %gt3A : i32
      %convert_element_type3A = arith.extui %gt3A_82 : i1 to i32
      %cond3A = arith.constant 0 : i32
      %cond3A_83 = arith.cmpi ne, %convert_element_type3A, %cond3A : i32
      scf.if %cond3A_83 {
        %mul3A_123 = arith.constant 8 : i32
        %mul3A_124 = arith.muli %add3A_81, %mul3A_123 : i32
        %dma_start3A_125 = tpu.memref_slice %arg2[%mul3A_124, %mul3A_2] : memref<128x32768xf32, #tpu.memory_space<hbm>> -> memref<8x896xf32, #tpu.memory_space<hbm>>
        %dma_start3A_126 = tpu.memref_slice %arg2[%mul3A_124, %mul3A_2] : memref<128x32768xf32, #tpu.memory_space<hbm>> -> memref<8x896xf32, #tpu.memory_space<hbm>>
        tpu.enqueue_dma source(%dma_start3A_126 : memref<8x896xf32, #tpu.memory_space<hbm>>) target(%arg8 : memref<8x896xf32, #tpu.memory_space<vmem>>) target_semaphore(%arg14 : memref<!tpu.dma_semaphore, #tpu.memory_space<semaphore_mem>>)
        %dma_start3A_127 = tpu.memref_slice %arg2[%mul3A_124, %mul3A_4] : memref<128x32768xf32, #tpu.memory_space<hbm>> -> memref<8x1024xf32, #tpu.memory_space<hbm>>
        %dma_start3A_128 = tpu.memref_slice %arg2[%mul3A_124, %mul3A_4] : memref<128x32768xf32, #tpu.memory_space<hbm>> -> memref<8x1024xf32, #tpu.memory_space<hbm>>
        tpu.enqueue_dma source(%dma_start3A_128 : memref<8x1024xf32, #tpu.memory_space<hbm>>) target(%arg10 : memref<8x1024xf32, #tpu.memory_space<vmem>>) target_semaphore(%arg16 : memref<!tpu.dma_semaphore, #tpu.memory_space<semaphore_mem>>)
      } else {
      }
      %mul3A_84 = arith.constant 8 : i32
      %mul3A_85 = arith.muli %mul3A_77, %mul3A_84 : i32
      %dma_wait3A_86 = tpu.memref_slice %arg2[%mul3A_85, %mul3A_2] : memref<128x32768xf32, #tpu.memory_space<hbm>> -> memref<8x896xf32, #tpu.memory_space<hbm>>
      %dma_wait3A_87 = tpu.memref_slice %arg2[%mul3A_85, %mul3A_2] : memref<128x32768xf32, #tpu.memory_space<hbm>> -> memref<8x896xf32, #tpu.memory_space<hbm>>
      tpu.wait_dma2 semaphore(%arg13 : memref<!tpu.dma_semaphore, #tpu.memory_space<semaphore_mem>>) src(%dma_wait3A_87 : memref<8x896xf32, #tpu.memory_space<hbm>>) dst(%arg7 : memref<8x896xf32, #tpu.memory_space<vmem>>)
      %dma_wait3A_88 = tpu.memref_slice %arg2[%mul3A_85, %mul3A_4] : memref<128x32768xf32, #tpu.memory_space<hbm>> -> memref<8x1024xf32, #tpu.memory_space<hbm>>
      %dma_wait3A_89 = tpu.memref_slice %arg2[%mul3A_85, %mul3A_4] : memref<128x32768xf32, #tpu.memory_space<hbm>> -> memref<8x1024xf32, #tpu.memory_space<hbm>>
      tpu.wait_dma2 semaphore(%arg15 : memref<!tpu.dma_semaphore, #tpu.memory_space<semaphore_mem>>) src(%dma_wait3A_89 : memref<8x1024xf32, #tpu.memory_space<hbm>>) dst(%arg9 : memref<8x1024xf32, #tpu.memory_space<vmem>>)
      %gt3A_90 = arith.constant 0 : i32
      %gt3A_91 = arith.cmpi sgt, %add3A_75, %gt3A_90 : i32
      %convert_element_type3A_92 = arith.extui %gt3A_91 : i1 to i32
      %cond3A_93 = arith.constant 0 : i32
      %cond3A_94 = arith.cmpi ne, %convert_element_type3A_92, %cond3A_93 : i32
      scf.if %cond3A_94 {
        %sub3A_123 = arith.constant 2 : i32
        %sub3A_124 = arith.subi %mul3A_77, %sub3A_123 : i32
        %mul3A_125 = arith.constant 8 : i32
        %mul3A_126 = arith.muli %sub3A_124, %mul3A_125 : i32
        %dma_wait3A_127 = tpu.memref_slice %arg4[%mul3A_126, %mul3A_4] : memref<128x32768xf32, #tpu.memory_space<hbm>> -> memref<8x1024xf32, #tpu.memory_space<hbm>>
        %dma_wait3A_128 = tpu.memref_slice %arg4[%mul3A_126, %mul3A_4] : memref<128x32768xf32, #tpu.memory_space<hbm>> -> memref<8x1024xf32, #tpu.memory_space<hbm>>
        tpu.wait_dma2 semaphore(%arg17 : memref<!tpu.dma_semaphore, #tpu.memory_space<semaphore_mem>>) src(%arg11 : memref<8x1024xf32, #tpu.memory_space<vmem>>) dst(%dma_wait3A_128 : memref<8x1024xf32, #tpu.memory_space<hbm>>)
      } else {
      }
      %parallel_loop3A = arith.constant 0 : i32
      %parallel_loop3A_95 = arith.constant 16 : i32
      %parallel_loop3A_96 = arith.constant 1 : i32
      scf.for %parallel_loop3A_123 = %parallel_loop3A to %parallel_loop3A_95 step %parallel_loop3A_96  : i32 {
        %parallel_loop3A_124 = arith.constant 48 : i32
        %parallel_loop3A_125 = arith.muli %parallel_loop3A_123, %parallel_loop3A_124 : i32
        %parallel_loop3A_126 = vector.broadcast %parallel_loop3A_125 : i32 to vector<16xi32>
        %parallel_loop3A_127 = arith.addi %mul3A_7, %parallel_loop3A_126 : vector<16xi32>
        %parallel_loop3A_128 = arith.constant 64 : i32
        %parallel_loop3A_129 = arith.muli %parallel_loop3A_123, %parallel_loop3A_128 : i32
        %parallel_loop3A_130 = arith.constant 64 : i32
        %parallel_loop3A_131 = arith.muli %parallel_loop3A_123, %parallel_loop3A_130 : i32
        %parallel_loop3A_132 = arith.constant 0 : i32
        %parallel_loop3A_133 = arith.addi %parallel_loop3A_131, %parallel_loop3A_132 : i32
        %parallel_loop3A_134 = arith.index_cast %parallel_loop3A_133 : i32 to index
        %parallel_loop3A_135 = tpu.vector_load %arg6[%parallel_loop3A_134] {strides = array<i32>} : memref<1024xf32, #tpu.memory_space<vmem>>, vector<16xf32>,
        %parallel_loop3A_136 = arith.constant 64 : i32
        %parallel_loop3A_137 = arith.muli %parallel_loop3A_123, %parallel_loop3A_136 : i32
        %parallel_loop3A_138 = arith.constant 16 : i32
        %parallel_loop3A_139 = arith.addi %parallel_loop3A_137, %parallel_loop3A_138 : i32
        %parallel_loop3A_140 = arith.index_cast %parallel_loop3A_139 : i32 to index
        %parallel_loop3A_141 = tpu.vector_load %arg6[%parallel_loop3A_140] {strides = array<i32>} : memref<1024xf32, #tpu.memory_space<vmem>>, vector<16xf32>,
        %parallel_loop3A_142 = arith.constant 64 : i32
        %parallel_loop3A_143 = arith.muli %parallel_loop3A_123, %parallel_loop3A_142 : i32
        %parallel_loop3A_144 = arith.constant 32 : i32
        %parallel_loop3A_145 = arith.addi %parallel_loop3A_143, %parallel_loop3A_144 : i32
        %parallel_loop3A_146 = arith.index_cast %parallel_loop3A_145 : i32 to index
        %parallel_loop3A_147 = tpu.vector_load %arg6[%parallel_loop3A_146] {strides = array<i32>} : memref<1024xf32, #tpu.memory_space<vmem>>, vector<16xf32>,
        %parallel_loop3A_148 = arith.constant 64 : i32
        %parallel_loop3A_149 = arith.muli %parallel_loop3A_123, %parallel_loop3A_148 : i32
        %parallel_loop3A_150 = arith.constant 48 : i32
        %parallel_loop3A_151 = arith.addi %parallel_loop3A_149, %parallel_loop3A_150 : i32
        %parallel_loop3A_152 = arith.index_cast %parallel_loop3A_151 : i32 to index
        %parallel_loop3A_153 = tpu.vector_load %arg6[%parallel_loop3A_152] {strides = array<i32>} : memref<1024xf32, #tpu.memory_space<vmem>>, vector<16xf32>,
        %parallel_loop3A_154 = arith.constant 0 : i32
        %parallel_loop3A_155 = arith.constant 8 : i32
        %parallel_loop3A_156 = arith.constant 1 : i32
        scf.for %parallel_loop3A_157 = %parallel_loop3A_154 to %parallel_loop3A_155 step %parallel_loop3A_156  : i32 {
          %parallel_loop3A_158 = vector.broadcast %parallel_loop3A_157 : i32 to vector<16xi32>
          %parallel_loop3A_159 = tpu.vector_load_idx %arg7[%parallel_loop3A_158, %parallel_loop3A_127] : memref<8x896xf32, #tpu.memory_space<vmem>>[vector<16xi32>, vector<16xi32>], vector<16xf32>,
          %parallel_loop3A_160 = arith.mulf %parallel_loop3A_159, %parallel_loop3A_135 : vector<16xf32>
          %parallel_loop3A_161 = arith.constant 0 : i32
          %parallel_loop3A_162 = vector.broadcast %parallel_loop3A_161 : i32 to vector<16xi32>
          %parallel_loop3A_163 = arith.constant 1 : i32
          %parallel_loop3A_164 = vector.broadcast %parallel_loop3A_163 : i32 to vector<16xi32>
          %parallel_loop3A_165 = arith.addi %parallel_loop3A_127, %parallel_loop3A_164 : vector<16xi32>
          %parallel_loop3A_166 = tpu.vector_load_idx %arg7[%parallel_loop3A_158, %parallel_loop3A_165] : memref<8x896xf32, #tpu.memory_space<vmem>>[vector<16xi32>, vector<16xi32>], vector<16xf32>,
          %parallel_loop3A_167 = arith.mulf %parallel_loop3A_166, %parallel_loop3A_141 : vector<16xf32>
          %parallel_loop3A_168 = arith.cmpf ogt, %parallel_loop3A_167, %parallel_loop3A_160 : vector<16xf32>
          %parallel_loop3A_169 = arith.select %parallel_loop3A_168, %parallel_loop3A_167, %parallel_loop3A_160 : vector<16xi1>, vector<16xf32>
          %parallel_loop3A_170 = arith.constant 1 : i32
          %parallel_loop3A_171 = vector.broadcast %parallel_loop3A_170 : i32 to vector<16xi32>
          %parallel_loop3A_172 = arith.select %parallel_loop3A_168, %parallel_loop3A_171, %parallel_loop3A_162 : vector<16xi1>, vector<16xi32>
          %parallel_loop3A_173 = arith.constant 2 : i32
          %parallel_loop3A_174 = vector.broadcast %parallel_loop3A_173 : i32 to vector<16xi32>
          %parallel_loop3A_175 = arith.addi %parallel_loop3A_127, %parallel_loop3A_174 : vector<16xi32>
          %parallel_loop3A_176 = tpu.vector_load_idx %arg7[%parallel_loop3A_158, %parallel_loop3A_175] : memref<8x896xf32, #tpu.memory_space<vmem>>[vector<16xi32>, vector<16xi32>], vector<16xf32>,
          %parallel_loop3A_177 = arith.mulf %parallel_loop3A_176, %parallel_loop3A_147 : vector<16xf32>
          %parallel_loop3A_178 = arith.cmpf ogt, %parallel_loop3A_177, %parallel_loop3A_169 : vector<16xf32>
          %parallel_loop3A_179 = arith.select %parallel_loop3A_178, %parallel_loop3A_177, %parallel_loop3A_169 : vector<16xi1>, vector<16xf32>
          %parallel_loop3A_180 = arith.constant 2 : i32
          %parallel_loop3A_181 = vector.broadcast %parallel_loop3A_180 : i32 to vector<16xi32>
          %parallel_loop3A_182 = arith.select %parallel_loop3A_178, %parallel_loop3A_181, %parallel_loop3A_172 : vector<16xi1>, vector<16xi32>
          %parallel_loop3A_183 = arith.constant 3 : i32
          %parallel_loop3A_184 = vector.broadcast %parallel_loop3A_183 : i32 to vector<16xi32>
          %parallel_loop3A_185 = arith.addi %parallel_loop3A_127, %parallel_loop3A_184 : vector<16xi32>
          %parallel_loop3A_186 = tpu.vector_load_idx %arg7[%parallel_loop3A_158, %parallel_loop3A_185] : memref<8x896xf32, #tpu.memory_space<vmem>>[vector<16xi32>, vector<16xi32>], vector<16xf32>,
          %parallel_loop3A_187 = arith.mulf %parallel_loop3A_186, %parallel_loop3A_153 : vector<16xf32>
          %parallel_loop3A_188 = arith.cmpf ogt, %parallel_loop3A_187, %parallel_loop3A_179 : vector<16xf32>
          %parallel_loop3A_189 = arith.select %parallel_loop3A_188, %parallel_loop3A_187, %parallel_loop3A_179 : vector<16xi1>, vector<16xf32>
          %parallel_loop3A_190 = arith.constant 3 : i32
          %parallel_loop3A_191 = vector.broadcast %parallel_loop3A_190 : i32 to vector<16xi32>
          %parallel_loop3A_192 = arith.select %parallel_loop3A_188, %parallel_loop3A_191, %parallel_loop3A_182 : vector<16xi1>, vector<16xi32>
          %parallel_loop3A_193 = arith.constant 0.000000e+00 : f32
          %parallel_loop3A_194 = vector.broadcast %parallel_loop3A_193 : f32 to vector<16xf32>
          %parallel_loop3A_195 = arith.constant 0 : i32
          %parallel_loop3A_196 = vector.broadcast %parallel_loop3A_195 : i32 to vector<16xi32>
          %parallel_loop3A_197 = arith.addi %select_n3A, %parallel_loop3A_196 : vector<16xi32>
          %parallel_loop3A_198 = vector.shape_cast %parallel_loop3A_197 : vector<16xi32> to vector<16x1xi32>
          %parallel_loop3A_199 = vector.shape_cast %parallel_loop3A_198 : vector<16x1xi32> to vector<16xi32>
          %parallel_loop3A_200 = tpu.dynamic_gather %parallel_loop3A_192[%parallel_loop3A_199] in [0] : vector<16xi32>, vector<16xi32> -> vector<16xi32>
          %parallel_loop3A_201 = arith.constant 0 : i32
          %parallel_loop3A_202 = arith.addi %parallel_loop3A_129, %parallel_loop3A_201 : i32
          %parallel_loop3A_203 = arith.index_cast %parallel_loop3A_157 : i32 to index
          %parallel_loop3A_204 = arith.index_cast %parallel_loop3A_202 : i32 to index
          %parallel_loop3A_205 = tpu.vector_load %arg9[%parallel_loop3A_203, %parallel_loop3A_204] {strides = array<i32>} : memref<8x1024xf32, #tpu.memory_space<vmem>>, vector<16xf32>,
          %parallel_loop3A_206 = arith.cmpi eq, %parallel_loop3A_200, %sub3A_34 : vector<16xi32>
          %parallel_loop3A_207 = arith.select %parallel_loop3A_206, %parallel_loop3A_205, %parallel_loop3A_194 : vector<16xi1>, vector<16xf32>
          %parallel_loop3A_208 = arith.constant 0 : i32
          %parallel_loop3A_209 = arith.addi %parallel_loop3A_129, %parallel_loop3A_208 : i32
          %parallel_loop3A_210 = arith.index_cast %parallel_loop3A_157 : i32 to index
          %parallel_loop3A_211 = arith.index_cast %parallel_loop3A_209 : i32 to index
          %parallel_loop3A_212 = tpu.vector_load %arg11[%parallel_loop3A_210, %parallel_loop3A_211] {strides = array<i32>} : memref<8x1024xf32, #tpu.memory_space<vmem>>, vector<16xf32>,
          tpu.vector_store %arg11[%parallel_loop3A_210, %parallel_loop3A_211], %parallel_loop3A_207 {strides = array<i32>} : memref<8x1024xf32, #tpu.memory_space<vmem>>, vector<16xf32>,
          %parallel_loop3A_213 = arith.constant 4 : i32
          %parallel_loop3A_214 = vector.broadcast %parallel_loop3A_213 : i32 to vector<16xi32>
          %parallel_loop3A_215 = arith.addi %select_n3A, %parallel_loop3A_214 : vector<16xi32>
          %parallel_loop3A_216 = vector.shape_cast %parallel_loop3A_215 : vector<16xi32> to vector<16x1xi32>
          %parallel_loop3A_217 = vector.shape_cast %parallel_loop3A_216 : vector<16x1xi32> to vector<16xi32>
          %parallel_loop3A_218 = tpu.dynamic_gather %parallel_loop3A_192[%parallel_loop3A_217] in [0] : vector<16xi32>, vector<16xi32> -> vector<16xi32>
          %parallel_loop3A_219 = arith.constant 16 : i32
          %parallel_loop3A_220 = arith.addi %parallel_loop3A_129, %parallel_loop3A_219 : i32
          %parallel_loop3A_221 = arith.index_cast %parallel_loop3A_157 : i32 to index
          %parallel_loop3A_222 = arith.index_cast %parallel_loop3A_220 : i32 to index
          %parallel_loop3A_223 = tpu.vector_load %arg9[%parallel_loop3A_221, %parallel_loop3A_222] {strides = array<i32>} : memref<8x1024xf32, #tpu.memory_space<vmem>>, vector<16xf32>,
          %parallel_loop3A_224 = arith.cmpi eq, %parallel_loop3A_218, %sub3A_34 : vector<16xi32>
          %parallel_loop3A_225 = arith.select %parallel_loop3A_224, %parallel_loop3A_223, %parallel_loop3A_194 : vector<16xi1>, vector<16xf32>
          %parallel_loop3A_226 = arith.constant 16 : i32
          %parallel_loop3A_227 = arith.addi %parallel_loop3A_129, %parallel_loop3A_226 : i32
          %parallel_loop3A_228 = arith.index_cast %parallel_loop3A_157 : i32 to index
          %parallel_loop3A_229 = arith.index_cast %parallel_loop3A_227 : i32 to index
          %parallel_loop3A_230 = tpu.vector_load %arg11[%parallel_loop3A_228, %parallel_loop3A_229] {strides = array<i32>} : memref<8x1024xf32, #tpu.memory_space<vmem>>, vector<16xf32>,
          tpu.vector_store %arg11[%parallel_loop3A_228, %parallel_loop3A_229], %parallel_loop3A_225 {strides = array<i32>} : memref<8x1024xf32, #tpu.memory_space<vmem>>, vector<16xf32>,
          %parallel_loop3A_231 = arith.constant 8 : i32
          %parallel_loop3A_232 = vector.broadcast %parallel_loop3A_231 : i32 to vector<16xi32>
          %parallel_loop3A_233 = arith.addi %select_n3A, %parallel_loop3A_232 : vector<16xi32>
          %parallel_loop3A_234 = vector.shape_cast %parallel_loop3A_233 : vector<16xi32> to vector<16x1xi32>
          %parallel_loop3A_235 = vector.shape_cast %parallel_loop3A_234 : vector<16x1xi32> to vector<16xi32>
          %parallel_loop3A_236 = tpu.dynamic_gather %parallel_loop3A_192[%parallel_loop3A_235] in [0] : vector<16xi32>, vector<16xi32> -> vector<16xi32>
          %parallel_loop3A_237 = arith.constant 32 : i32
          %parallel_loop3A_238 = arith.addi %parallel_loop3A_129, %parallel_loop3A_237 : i32
          %parallel_loop3A_239 = arith.index_cast %parallel_loop3A_157 : i32 to index
          %parallel_loop3A_240 = arith.index_cast %parallel_loop3A_238 : i32 to index
          %parallel_loop3A_241 = tpu.vector_load %arg9[%parallel_loop3A_239, %parallel_loop3A_240] {strides = array<i32>} : memref<8x1024xf32, #tpu.memory_space<vmem>>, vector<16xf32>,
          %parallel_loop3A_242 = arith.cmpi eq, %parallel_loop3A_236, %sub3A_34 : vector<16xi32>
          %parallel_loop3A_243 = arith.select %parallel_loop3A_242, %parallel_loop3A_241, %parallel_loop3A_194 : vector<16xi1>, vector<16xf32>
          %parallel_loop3A_244 = arith.constant 32 : i32
          %parallel_loop3A_245 = arith.addi %parallel_loop3A_129, %parallel_loop3A_244 : i32
          %parallel_loop3A_246 = arith.index_cast %parallel_loop3A_157 : i32 to index
          %parallel_loop3A_247 = arith.index_cast %parallel_loop3A_245 : i32 to index
          %parallel_loop3A_248 = tpu.vector_load %arg11[%parallel_loop3A_246, %parallel_loop3A_247] {strides = array<i32>} : memref<8x1024xf32, #tpu.memory_space<vmem>>, vector<16xf32>,
          tpu.vector_store %arg11[%parallel_loop3A_246, %parallel_loop3A_247], %parallel_loop3A_243 {strides = array<i32>} : memref<8x1024xf32, #tpu.memory_space<vmem>>, vector<16xf32>,
          %parallel_loop3A_249 = arith.constant 12 : i32
          %parallel_loop3A_250 = vector.broadcast %parallel_loop3A_249 : i32 to vector<16xi32>
          %parallel_loop3A_251 = arith.addi %select_n3A, %parallel_loop3A_250 : vector<16xi32>
          %parallel_loop3A_252 = vector.shape_cast %parallel_loop3A_251 : vector<16xi32> to vector<16x1xi32>
          %parallel_loop3A_253 = vector.shape_cast %parallel_loop3A_252 : vector<16x1xi32> to vector<16xi32>
          %parallel_loop3A_254 = tpu.dynamic_gather %parallel_loop3A_192[%parallel_loop3A_253] in [0] : vector<16xi32>, vector<16xi32> -> vector<16xi32>
          %parallel_loop3A_255 = arith.constant 48 : i32
          %parallel_loop3A_256 = arith.addi %parallel_loop3A_129, %parallel_loop3A_255 : i32
          %parallel_loop3A_257 = arith.index_cast %parallel_loop3A_157 : i32 to index
          %parallel_loop3A_258 = arith.index_cast %parallel_loop3A_256 : i32 to index
          %parallel_loop3A_259 = tpu.vector_load %arg9[%parallel_loop3A_257, %parallel_loop3A_258] {strides = array<i32>} : memref<8x1024xf32, #tpu.memory_space<vmem>>, vector<16xf32>,
          %parallel_loop3A_260 = arith.cmpi eq, %parallel_loop3A_254, %sub3A_34 : vector<16xi32>
          %parallel_loop3A_261 = arith.select %parallel_loop3A_260, %parallel_loop3A_259, %parallel_loop3A_194 : vector<16xi1>, vector<16xf32>
          %parallel_loop3A_262 = arith.constant 48 : i32
          %parallel_loop3A_263 = arith.addi %parallel_loop3A_129, %parallel_loop3A_262 : i32
          %parallel_loop3A_264 = arith.index_cast %parallel_loop3A_157 : i32 to index
          %parallel_loop3A_265 = arith.index_cast %parallel_loop3A_263 : i32 to index
          %parallel_loop3A_266 = tpu.vector_load %arg11[%parallel_loop3A_264, %parallel_loop3A_265] {strides = array<i32>} : memref<8x1024xf32, #tpu.memory_space<vmem>>, vector<16xf32>,
          tpu.vector_store %arg11[%parallel_loop3A_264, %parallel_loop3A_265], %parallel_loop3A_261 {strides = array<i32>} : memref<8x1024xf32, #tpu.memory_space<vmem>>, vector<16xf32>,
        } {sc.loop_unroll_factor = 2 : i64, sc.parallel_access}
      } {sc.loop_unroll_factor = 1 : i64, sc.parallel_access}
      %mul3A_97 = arith.constant 8 : i32
      %mul3A_98 = arith.muli %mul3A_77, %mul3A_97 : i32
      %dma_start3A_99 = tpu.memref_slice %arg4[%mul3A_98, %mul3A_4] : memref<128x32768xf32, #tpu.memory_space<hbm>> -> memref<8x1024xf32, #tpu.memory_space<hbm>>
      %dma_start3A_100 = tpu.memref_slice %arg4[%mul3A_98, %mul3A_4] : memref<128x32768xf32, #tpu.memory_space<hbm>> -> memref<8x1024xf32, #tpu.memory_space<hbm>>
      tpu.enqueue_dma source(%arg11 : memref<8x1024xf32, #tpu.memory_space<vmem>>) target(%dma_start3A_100 : memref<8x1024xf32, #tpu.memory_space<hbm>>) target_semaphore(%arg17 : memref<!tpu.dma_semaphore, #tpu.memory_space<semaphore_mem>>)
      %lt3A = arith.constant 7 : i32
      %lt3A_101 = arith.cmpi slt, %add3A_75, %lt3A : i32
      %convert_element_type3A_102 = arith.extui %lt3A_101 : i1 to i32
      %cond3A_103 = arith.constant 0 : i32
      %cond3A_104 = arith.cmpi ne, %convert_element_type3A_102, %cond3A_103 : i32
      scf.if %cond3A_104 {
        %add3A_123 = arith.constant 1 : i32
        %add3A_124 = arith.addi %add3A_81, %add3A_123 : i32
        %mul3A_125 = arith.constant 8 : i32
        %mul3A_126 = arith.muli %add3A_124, %mul3A_125 : i32
        %dma_start3A_127 = tpu.memref_slice %arg2[%mul3A_126, %mul3A_2] : memref<128x32768xf32, #tpu.memory_space<hbm>> -> memref<8x896xf32, #tpu.memory_space<hbm>>
        %dma_start3A_128 = tpu.memref_slice %arg2[%mul3A_126, %mul3A_2] : memref<128x32768xf32, #tpu.memory_space<hbm>> -> memref<8x896xf32, #tpu.memory_space<hbm>>
        tpu.enqueue_dma source(%dma_start3A_128 : memref<8x896xf32, #tpu.memory_space<hbm>>) target(%arg7 : memref<8x896xf32, #tpu.memory_space<vmem>>) target_semaphore(%arg13 : memref<!tpu.dma_semaphore, #tpu.memory_space<semaphore_mem>>)
        %dma_start3A_129 = tpu.memref_slice %arg2[%mul3A_126, %mul3A_4] : memref<128x32768xf32, #tpu.memory_space<hbm>> -> memref<8x1024xf32, #tpu.memory_space<hbm>>
        %dma_start3A_130 = tpu.memref_slice %arg2[%mul3A_126, %mul3A_4] : memref<128x32768xf32, #tpu.memory_space<hbm>> -> memref<8x1024xf32, #tpu.memory_space<hbm>>
        tpu.enqueue_dma source(%dma_start3A_130 : memref<8x1024xf32, #tpu.memory_space<hbm>>) target(%arg9 : memref<8x1024xf32, #tpu.memory_space<vmem>>) target_semaphore(%arg15 : memref<!tpu.dma_semaphore, #tpu.memory_space<semaphore_mem>>)
      } else {
      }
      %mul3A_105 = arith.constant 8 : i32
      %mul3A_106 = arith.muli %add3A_81, %mul3A_105 : i32
      %dma_wait3A_107 = tpu.memref_slice %arg2[%mul3A_106, %mul3A_2] : memref<128x32768xf32, #tpu.memory_space<hbm>> -> memref<8x896xf32, #tpu.memory_space<hbm>>
      %dma_wait3A_108 = tpu.memref_slice %arg2[%mul3A_106, %mul3A_2] : memref<128x32768xf32, #tpu.memory_space<hbm>> -> memref<8x896xf32, #tpu.memory_space<hbm>>
      tpu.wait_dma2 semaphore(%arg14 : memref<!tpu.dma_semaphore, #tpu.memory_space<semaphore_mem>>) src(%dma_wait3A_108 : memref<8x896xf32, #tpu.memory_space<hbm>>) dst(%arg8 : memref<8x896xf32, #tpu.memory_space<vmem>>)
      %dma_wait3A_109 = tpu.memref_slice %arg2[%mul3A_106, %mul3A_4] : memref<128x32768xf32, #tpu.memory_space<hbm>> -> memref<8x1024xf32, #tpu.memory_space<hbm>>
      %dma_wait3A_110 = tpu.memref_slice %arg2[%mul3A_106, %mul3A_4] : memref<128x32768xf32, #tpu.memory_space<hbm>> -> memref<8x1024xf32, #tpu.memory_space<hbm>>
      tpu.wait_dma2 semaphore(%arg16 : memref<!tpu.dma_semaphore, #tpu.memory_space<semaphore_mem>>) src(%dma_wait3A_110 : memref<8x1024xf32, #tpu.memory_space<hbm>>) dst(%arg10 : memref<8x1024xf32, #tpu.memory_space<vmem>>)
      %gt3A_111 = arith.constant 0 : i32
      %gt3A_112 = arith.cmpi sgt, %add3A_75, %gt3A_111 : i32
      %convert_element_type3A_113 = arith.extui %gt3A_112 : i1 to i32
      %cond3A_114 = arith.constant 0 : i32
      %cond3A_115 = arith.cmpi ne, %convert_element_type3A_113, %cond3A_114 : i32
      scf.if %cond3A_115 {
        %sub3A_123 = arith.constant 2 : i32
        %sub3A_124 = arith.subi %add3A_81, %sub3A_123 : i32
        %mul3A_125 = arith.constant 8 : i32
        %mul3A_126 = arith.muli %sub3A_124, %mul3A_125 : i32
        %dma_wait3A_127 = tpu.memref_slice %arg4[%mul3A_126, %mul3A_4] : memref<128x32768xf32, #tpu.memory_space<hbm>> -> memref<8x1024xf32, #tpu.memory_space<hbm>>
        %dma_wait3A_128 = tpu.memref_slice %arg4[%mul3A_126, %mul3A_4] : memref<128x32768xf32, #tpu.memory_space<hbm>> -> memref<8x1024xf32, #tpu.memory_space<hbm>>
        tpu.wait_dma2 semaphore(%arg18 : memref<!tpu.dma_semaphore, #tpu.memory_space<semaphore_mem>>) src(%arg12 : memref<8x1024xf32, #tpu.memory_space<vmem>>) dst(%dma_wait3A_128 : memref<8x1024xf32, #tpu.memory_space<hbm>>)
      } else {
      }
      %parallel_loop3A_116 = arith.constant 0 : i32
      %parallel_loop3A_117 = arith.constant 16 : i32
      %parallel_loop3A_118 = arith.constant 1 : i32
      scf.for %parallel_loop3A_123 = %parallel_loop3A_116 to %parallel_loop3A_117 step %parallel_loop3A_118  : i32 {
        %parallel_loop3A_124 = arith.constant 48 : i32
        %parallel_loop3A_125 = arith.muli %parallel_loop3A_123, %parallel_loop3A_124 : i32
        %parallel_loop3A_126 = vector.broadcast %parallel_loop3A_125 : i32 to vector<16xi32>
        %parallel_loop3A_127 = arith.addi %mul3A_7, %parallel_loop3A_126 : vector<16xi32>
        %parallel_loop3A_128 = arith.constant 64 : i32
        %parallel_loop3A_129 = arith.muli %parallel_loop3A_123, %parallel_loop3A_128 : i32
        %parallel_loop3A_130 = arith.constant 64 : i32
        %parallel_loop3A_131 = arith.muli %parallel_loop3A_123, %parallel_loop3A_130 : i32
        %parallel_loop3A_132 = arith.constant 0 : i32
        %parallel_loop3A_133 = arith.addi %parallel_loop3A_131, %parallel_loop3A_132 : i32
        %parallel_loop3A_134 = arith.index_cast %parallel_loop3A_133 : i32 to index
        %parallel_loop3A_135 = tpu.vector_load %arg6[%parallel_loop3A_134] {strides = array<i32>} : memref<1024xf32, #tpu.memory_space<vmem>>, vector<16xf32>,
        %parallel_loop3A_136 = arith.constant 64 : i32
        %parallel_loop3A_137 = arith.muli %parallel_loop3A_123, %parallel_loop3A_136 : i32
        %parallel_loop3A_138 = arith.constant 16 : i32
        %parallel_loop3A_139 = arith.addi %parallel_loop3A_137, %parallel_loop3A_138 : i32
        %parallel_loop3A_140 = arith.index_cast %parallel_loop3A_139 : i32 to index
        %parallel_loop3A_141 = tpu.vector_load %arg6[%parallel_loop3A_140] {strides = array<i32>} : memref<1024xf32, #tpu.memory_space<vmem>>, vector<16xf32>,
        %parallel_loop3A_142 = arith.constant 64 : i32
        %parallel_loop3A_143 = arith.muli %parallel_loop3A_123, %parallel_loop3A_142 : i32
        %parallel_loop3A_144 = arith.constant 32 : i32
        %parallel_loop3A_145 = arith.addi %parallel_loop3A_143, %parallel_loop3A_144 : i32
        %parallel_loop3A_146 = arith.index_cast %parallel_loop3A_145 : i32 to index
        %parallel_loop3A_147 = tpu.vector_load %arg6[%parallel_loop3A_146] {strides = array<i32>} : memref<1024xf32, #tpu.memory_space<vmem>>, vector<16xf32>,
        %parallel_loop3A_148 = arith.constant 64 : i32
        %parallel_loop3A_149 = arith.muli %parallel_loop3A_123, %parallel_loop3A_148 : i32
        %parallel_loop3A_150 = arith.constant 48 : i32
        %parallel_loop3A_151 = arith.addi %parallel_loop3A_149, %parallel_loop3A_150 : i32
        %parallel_loop3A_152 = arith.index_cast %parallel_loop3A_151 : i32 to index
        %parallel_loop3A_153 = tpu.vector_load %arg6[%parallel_loop3A_152] {strides = array<i32>} : memref<1024xf32, #tpu.memory_space<vmem>>, vector<16xf32>,
        %parallel_loop3A_154 = arith.constant 0 : i32
        %parallel_loop3A_155 = arith.constant 8 : i32
        %parallel_loop3A_156 = arith.constant 1 : i32
        scf.for %parallel_loop3A_157 = %parallel_loop3A_154 to %parallel_loop3A_155 step %parallel_loop3A_156  : i32 {
          %parallel_loop3A_158 = vector.broadcast %parallel_loop3A_157 : i32 to vector<16xi32>
          %parallel_loop3A_159 = tpu.vector_load_idx %arg8[%parallel_loop3A_158, %parallel_loop3A_127] : memref<8x896xf32, #tpu.memory_space<vmem>>[vector<16xi32>, vector<16xi32>], vector<16xf32>,
          %parallel_loop3A_160 = arith.mulf %parallel_loop3A_159, %parallel_loop3A_135 : vector<16xf32>
          %parallel_loop3A_161 = arith.constant 0 : i32
          %parallel_loop3A_162 = vector.broadcast %parallel_loop3A_161 : i32 to vector<16xi32>
          %parallel_loop3A_163 = arith.constant 1 : i32
          %parallel_loop3A_164 = vector.broadcast %parallel_loop3A_163 : i32 to vector<16xi32>
          %parallel_loop3A_165 = arith.addi %parallel_loop3A_127, %parallel_loop3A_164 : vector<16xi32>
          %parallel_loop3A_166 = tpu.vector_load_idx %arg8[%parallel_loop3A_158, %parallel_loop3A_165] : memref<8x896xf32, #tpu.memory_space<vmem>>[vector<16xi32>, vector<16xi32>], vector<16xf32>,
          %parallel_loop3A_167 = arith.mulf %parallel_loop3A_166, %parallel_loop3A_141 : vector<16xf32>
          %parallel_loop3A_168 = arith.cmpf ogt, %parallel_loop3A_167, %parallel_loop3A_160 : vector<16xf32>
          %parallel_loop3A_169 = arith.select %parallel_loop3A_168, %parallel_loop3A_167, %parallel_loop3A_160 : vector<16xi1>, vector<16xf32>
          %parallel_loop3A_170 = arith.constant 1 : i32
          %parallel_loop3A_171 = vector.broadcast %parallel_loop3A_170 : i32 to vector<16xi32>
          %parallel_loop3A_172 = arith.select %parallel_loop3A_168, %parallel_loop3A_171, %parallel_loop3A_162 : vector<16xi1>, vector<16xi32>
          %parallel_loop3A_173 = arith.constant 2 : i32
          %parallel_loop3A_174 = vector.broadcast %parallel_loop3A_173 : i32 to vector<16xi32>
          %parallel_loop3A_175 = arith.addi %parallel_loop3A_127, %parallel_loop3A_174 : vector<16xi32>
          %parallel_loop3A_176 = tpu.vector_load_idx %arg8[%parallel_loop3A_158, %parallel_loop3A_175] : memref<8x896xf32, #tpu.memory_space<vmem>>[vector<16xi32>, vector<16xi32>], vector<16xf32>,
          %parallel_loop3A_177 = arith.mulf %parallel_loop3A_176, %parallel_loop3A_147 : vector<16xf32>
          %parallel_loop3A_178 = arith.cmpf ogt, %parallel_loop3A_177, %parallel_loop3A_169 : vector<16xf32>
          %parallel_loop3A_179 = arith.select %parallel_loop3A_178, %parallel_loop3A_177, %parallel_loop3A_169 : vector<16xi1>, vector<16xf32>
          %parallel_loop3A_180 = arith.constant 2 : i32
          %parallel_loop3A_181 = vector.broadcast %parallel_loop3A_180 : i32 to vector<16xi32>
          %parallel_loop3A_182 = arith.select %parallel_loop3A_178, %parallel_loop3A_181, %parallel_loop3A_172 : vector<16xi1>, vector<16xi32>
          %parallel_loop3A_183 = arith.constant 3 : i32
          %parallel_loop3A_184 = vector.broadcast %parallel_loop3A_183 : i32 to vector<16xi32>
          %parallel_loop3A_185 = arith.addi %parallel_loop3A_127, %parallel_loop3A_184 : vector<16xi32>
          %parallel_loop3A_186 = tpu.vector_load_idx %arg8[%parallel_loop3A_158, %parallel_loop3A_185] : memref<8x896xf32, #tpu.memory_space<vmem>>[vector<16xi32>, vector<16xi32>], vector<16xf32>,
          %parallel_loop3A_187 = arith.mulf %parallel_loop3A_186, %parallel_loop3A_153 : vector<16xf32>
          %parallel_loop3A_188 = arith.cmpf ogt, %parallel_loop3A_187, %parallel_loop3A_179 : vector<16xf32>
          %parallel_loop3A_189 = arith.select %parallel_loop3A_188, %parallel_loop3A_187, %parallel_loop3A_179 : vector<16xi1>, vector<16xf32>
          %parallel_loop3A_190 = arith.constant 3 : i32
          %parallel_loop3A_191 = vector.broadcast %parallel_loop3A_190 : i32 to vector<16xi32>
          %parallel_loop3A_192 = arith.select %parallel_loop3A_188, %parallel_loop3A_191, %parallel_loop3A_182 : vector<16xi1>, vector<16xi32>
          %parallel_loop3A_193 = arith.constant 0.000000e+00 : f32
          %parallel_loop3A_194 = vector.broadcast %parallel_loop3A_193 : f32 to vector<16xf32>
          %parallel_loop3A_195 = arith.constant 0 : i32
          %parallel_loop3A_196 = vector.broadcast %parallel_loop3A_195 : i32 to vector<16xi32>
          %parallel_loop3A_197 = arith.addi %select_n3A, %parallel_loop3A_196 : vector<16xi32>
          %parallel_loop3A_198 = vector.shape_cast %parallel_loop3A_197 : vector<16xi32> to vector<16x1xi32>
          %parallel_loop3A_199 = vector.shape_cast %parallel_loop3A_198 : vector<16x1xi32> to vector<16xi32>
          %parallel_loop3A_200 = tpu.dynamic_gather %parallel_loop3A_192[%parallel_loop3A_199] in [0] : vector<16xi32>, vector<16xi32> -> vector<16xi32>
          %parallel_loop3A_201 = arith.constant 0 : i32
          %parallel_loop3A_202 = arith.addi %parallel_loop3A_129, %parallel_loop3A_201 : i32
          %parallel_loop3A_203 = arith.index_cast %parallel_loop3A_157 : i32 to index
          %parallel_loop3A_204 = arith.index_cast %parallel_loop3A_202 : i32 to index
          %parallel_loop3A_205 = tpu.vector_load %arg10[%parallel_loop3A_203, %parallel_loop3A_204] {strides = array<i32>} : memref<8x1024xf32, #tpu.memory_space<vmem>>, vector<16xf32>,
          %parallel_loop3A_206 = arith.cmpi eq, %parallel_loop3A_200, %sub3A_34 : vector<16xi32>
          %parallel_loop3A_207 = arith.select %parallel_loop3A_206, %parallel_loop3A_205, %parallel_loop3A_194 : vector<16xi1>, vector<16xf32>
          %parallel_loop3A_208 = arith.constant 0 : i32
          %parallel_loop3A_209 = arith.addi %parallel_loop3A_129, %parallel_loop3A_208 : i32
          %parallel_loop3A_210 = arith.index_cast %parallel_loop3A_157 : i32 to index
          %parallel_loop3A_211 = arith.index_cast %parallel_loop3A_209 : i32 to index
          %parallel_loop3A_212 = tpu.vector_load %arg12[%parallel_loop3A_210, %parallel_loop3A_211] {strides = array<i32>} : memref<8x1024xf32, #tpu.memory_space<vmem>>, vector<16xf32>,
          tpu.vector_store %arg12[%parallel_loop3A_210, %parallel_loop3A_211], %parallel_loop3A_207 {strides = array<i32>} : memref<8x1024xf32, #tpu.memory_space<vmem>>, vector<16xf32>,
          %parallel_loop3A_213 = arith.constant 4 : i32
          %parallel_loop3A_214 = vector.broadcast %parallel_loop3A_213 : i32 to vector<16xi32>
          %parallel_loop3A_215 = arith.addi %select_n3A, %parallel_loop3A_214 : vector<16xi32>
          %parallel_loop3A_216 = vector.shape_cast %parallel_loop3A_215 : vector<16xi32> to vector<16x1xi32>
          %parallel_loop3A_217 = vector.shape_cast %parallel_loop3A_216 : vector<16x1xi32> to vector<16xi32>
          %parallel_loop3A_218 = tpu.dynamic_gather %parallel_loop3A_192[%parallel_loop3A_217] in [0] : vector<16xi32>, vector<16xi32> -> vector<16xi32>
          %parallel_loop3A_219 = arith.constant 16 : i32
          %parallel_loop3A_220 = arith.addi %parallel_loop3A_129, %parallel_loop3A_219 : i32
          %parallel_loop3A_221 = arith.index_cast %parallel_loop3A_157 : i32 to index
          %parallel_loop3A_222 = arith.index_cast %parallel_loop3A_220 : i32 to index
          %parallel_loop3A_223 = tpu.vector_load %arg10[%parallel_loop3A_221, %parallel_loop3A_222] {strides = array<i32>} : memref<8x1024xf32, #tpu.memory_space<vmem>>, vector<16xf32>,
          %parallel_loop3A_224 = arith.cmpi eq, %parallel_loop3A_218, %sub3A_34 : vector<16xi32>
          %parallel_loop3A_225 = arith.select %parallel_loop3A_224, %parallel_loop3A_223, %parallel_loop3A_194 : vector<16xi1>, vector<16xf32>
          %parallel_loop3A_226 = arith.constant 16 : i32
          %parallel_loop3A_227 = arith.addi %parallel_loop3A_129, %parallel_loop3A_226 : i32
          %parallel_loop3A_228 = arith.index_cast %parallel_loop3A_157 : i32 to index
          %parallel_loop3A_229 = arith.index_cast %parallel_loop3A_227 : i32 to index
          %parallel_loop3A_230 = tpu.vector_load %arg12[%parallel_loop3A_228, %parallel_loop3A_229] {strides = array<i32>} : memref<8x1024xf32, #tpu.memory_space<vmem>>, vector<16xf32>,
          tpu.vector_store %arg12[%parallel_loop3A_228, %parallel_loop3A_229], %parallel_loop3A_225 {strides = array<i32>} : memref<8x1024xf32, #tpu.memory_space<vmem>>, vector<16xf32>,
          %parallel_loop3A_231 = arith.constant 8 : i32
          %parallel_loop3A_232 = vector.broadcast %parallel_loop3A_231 : i32 to vector<16xi32>
          %parallel_loop3A_233 = arith.addi %select_n3A, %parallel_loop3A_232 : vector<16xi32>
          %parallel_loop3A_234 = vector.shape_cast %parallel_loop3A_233 : vector<16xi32> to vector<16x1xi32>
          %parallel_loop3A_235 = vector.shape_cast %parallel_loop3A_234 : vector<16x1xi32> to vector<16xi32>
          %parallel_loop3A_236 = tpu.dynamic_gather %parallel_loop3A_192[%parallel_loop3A_235] in [0] : vector<16xi32>, vector<16xi32> -> vector<16xi32>
          %parallel_loop3A_237 = arith.constant 32 : i32
          %parallel_loop3A_238 = arith.addi %parallel_loop3A_129, %parallel_loop3A_237 : i32
          %parallel_loop3A_239 = arith.index_cast %parallel_loop3A_157 : i32 to index
          %parallel_loop3A_240 = arith.index_cast %parallel_loop3A_238 : i32 to index
          %parallel_loop3A_241 = tpu.vector_load %arg10[%parallel_loop3A_239, %parallel_loop3A_240] {strides = array<i32>} : memref<8x1024xf32, #tpu.memory_space<vmem>>, vector<16xf32>,
          %parallel_loop3A_242 = arith.cmpi eq, %parallel_loop3A_236, %sub3A_34 : vector<16xi32>
          %parallel_loop3A_243 = arith.select %parallel_loop3A_242, %parallel_loop3A_241, %parallel_loop3A_194 : vector<16xi1>, vector<16xf32>
          %parallel_loop3A_244 = arith.constant 32 : i32
          %parallel_loop3A_245 = arith.addi %parallel_loop3A_129, %parallel_loop3A_244 : i32
          %parallel_loop3A_246 = arith.index_cast %parallel_loop3A_157 : i32 to index
          %parallel_loop3A_247 = arith.index_cast %parallel_loop3A_245 : i32 to index
          %parallel_loop3A_248 = tpu.vector_load %arg12[%parallel_loop3A_246, %parallel_loop3A_247] {strides = array<i32>} : memref<8x1024xf32, #tpu.memory_space<vmem>>, vector<16xf32>,
          tpu.vector_store %arg12[%parallel_loop3A_246, %parallel_loop3A_247], %parallel_loop3A_243 {strides = array<i32>} : memref<8x1024xf32, #tpu.memory_space<vmem>>, vector<16xf32>,
          %parallel_loop3A_249 = arith.constant 12 : i32
          %parallel_loop3A_250 = vector.broadcast %parallel_loop3A_249 : i32 to vector<16xi32>
          %parallel_loop3A_251 = arith.addi %select_n3A, %parallel_loop3A_250 : vector<16xi32>
          %parallel_loop3A_252 = vector.shape_cast %parallel_loop3A_251 : vector<16xi32> to vector<16x1xi32>
          %parallel_loop3A_253 = vector.shape_cast %parallel_loop3A_252 : vector<16x1xi32> to vector<16xi32>
          %parallel_loop3A_254 = tpu.dynamic_gather %parallel_loop3A_192[%parallel_loop3A_253] in [0] : vector<16xi32>, vector<16xi32> -> vector<16xi32>
          %parallel_loop3A_255 = arith.constant 48 : i32
          %parallel_loop3A_256 = arith.addi %parallel_loop3A_129, %parallel_loop3A_255 : i32
          %parallel_loop3A_257 = arith.index_cast %parallel_loop3A_157 : i32 to index
          %parallel_loop3A_258 = arith.index_cast %parallel_loop3A_256 : i32 to index
          %parallel_loop3A_259 = tpu.vector_load %arg10[%parallel_loop3A_257, %parallel_loop3A_258] {strides = array<i32>} : memref<8x1024xf32, #tpu.memory_space<vmem>>, vector<16xf32>,
          %parallel_loop3A_260 = arith.cmpi eq, %parallel_loop3A_254, %sub3A_34 : vector<16xi32>
          %parallel_loop3A_261 = arith.select %parallel_loop3A_260, %parallel_loop3A_259, %parallel_loop3A_194 : vector<16xi1>, vector<16xf32>
          %parallel_loop3A_262 = arith.constant 48 : i32
          %parallel_loop3A_263 = arith.addi %parallel_loop3A_129, %parallel_loop3A_262 : i32
          %parallel_loop3A_264 = arith.index_cast %parallel_loop3A_157 : i32 to index
          %parallel_loop3A_265 = arith.index_cast %parallel_loop3A_263 : i32 to index
          %parallel_loop3A_266 = tpu.vector_load %arg12[%parallel_loop3A_264, %parallel_loop3A_265] {strides = array<i32>} : memref<8x1024xf32, #tpu.memory_space<vmem>>, vector<16xf32>,
          tpu.vector_store %arg12[%parallel_loop3A_264, %parallel_loop3A_265], %parallel_loop3A_261 {strides = array<i32>} : memref<8x1024xf32, #tpu.memory_space<vmem>>, vector<16xf32>,
        } {sc.loop_unroll_factor = 2 : i64, sc.parallel_access}
      } {sc.loop_unroll_factor = 1 : i64, sc.parallel_access}
      %mul3A_119 = arith.constant 8 : i32
      %mul3A_120 = arith.muli %add3A_81, %mul3A_119 : i32
      %dma_start3A_121 = tpu.memref_slice %arg4[%mul3A_120, %mul3A_4] : memref<128x32768xf32, #tpu.memory_space<hbm>> -> memref<8x1024xf32, #tpu.memory_space<hbm>>
      %dma_start3A_122 = tpu.memref_slice %arg4[%mul3A_120, %mul3A_4] : memref<128x32768xf32, #tpu.memory_space<hbm>> -> memref<8x1024xf32, #tpu.memory_space<hbm>>
      tpu.enqueue_dma source(%arg12 : memref<8x1024xf32, #tpu.memory_space<vmem>>) target(%dma_start3A_122 : memref<8x1024xf32, #tpu.memory_space<hbm>>) target_semaphore(%arg18 : memref<!tpu.dma_semaphore, #tpu.memory_space<semaphore_mem>>)
    }
    %scan3A_63 = arith.constant 8 : i32
    %dma_wait3A = arith.constant 112 : i32
    %dma_wait3A_64 = tpu.memref_slice %arg4[%dma_wait3A, %mul3A_4] : memref<128x32768xf32, #tpu.memory_space<hbm>> -> memref<8x1024xf32, #tpu.memory_space<hbm>>
    %dma_wait3A_65 = arith.constant 112 : i32
    %dma_wait3A_66 = tpu.memref_slice %arg4[%dma_wait3A_65, %mul3A_4] : memref<128x32768xf32, #tpu.memory_space<hbm>> -> memref<8x1024xf32, #tpu.memory_space<hbm>>
    tpu.wait_dma2 semaphore(%arg17 : memref<!tpu.dma_semaphore, #tpu.memory_space<semaphore_mem>>) src(%arg11 : memref<8x1024xf32, #tpu.memory_space<vmem>>) dst(%dma_wait3A_66 : memref<8x1024xf32, #tpu.memory_space<hbm>>)
    %dma_wait3A_67 = arith.constant 120 : i32
    %dma_wait3A_68 = tpu.memref_slice %arg4[%dma_wait3A_67, %mul3A_4] : memref<128x32768xf32, #tpu.memory_space<hbm>> -> memref<8x1024xf32, #tpu.memory_space<hbm>>
    %dma_wait3A_69 = arith.constant 120 : i32
    %dma_wait3A_70 = tpu.memref_slice %arg4[%dma_wait3A_69, %mul3A_4] : memref<128x32768xf32, #tpu.memory_space<hbm>> -> memref<8x1024xf32, #tpu.memory_space<hbm>>
    tpu.wait_dma2 semaphore(%arg18 : memref<!tpu.dma_semaphore, #tpu.memory_space<semaphore_mem>>) src(%arg12 : memref<8x1024xf32, #tpu.memory_space<vmem>>) dst(%dma_wait3A_70 : memref<8x1024xf32, #tpu.memory_space<hbm>>)
    return
  }
}

</mosaic_0001>

<sc_bundles>
// kernel: kernel.3.cloned.1.call-start
scs
__scs_entry_jumppad:
0x0: {  	(pc) =	sbr.rel $0x88, $3  }
0x1: {  	(tag) =	ssettag $0x0;
	lr =	simm.s32 $0x1  }
0x2: {  	[smem:$0x3F9F] =	sst lr;
	_ =	strace $0xD0000000  }
0x3: {  	_ = 	snop  }
0x4: {  	_ = 	snop  }
0x5: {  	_ = 	snop  }
0x6: {  	_ = 	snop  }
0x7: {  	_ = 	snop  }
__scs_overlays_trampoline_lowered:
0x8: {  	[smem:$0x3FAE] =	sst s0  }
0x9: {  	[smem:$0x3FAF] =	sst s1  }
0xa: {  	[smem:$0x3FB0] =	sst s2  }
0xb: {  	[smem:$0x3FB1] =	sst s3  }
0xc: {  	[smem:$0x3FB2] =	sst s4  }
0xd: {  	[smem:$0x3FB3] =	sst s5  }
0xe: {  	[smem:$0x3FB4] =	sst s6  }
0xf: {  	[smem:$0x3FB5] =	sst s7  }
0x10: {  	[smem:$0x3FB6] =	sst s8  }
0x11: {  	[smem:$0x3FB7] =	sst s9;
	s0 =	simm.s32 @!p0 $0x0  }
0x12: {  	s1 =	sld [smem:$0x3F9D];
	s0 =	simm.s32 @p0 $0x1  }
0x13: {  	[smem:$0x3FB8] =	sst s0;
	s0 =	simm.s32 @!p1 $0x0  }
0x14: {  	s2 =	sld [smem:$0x3F9C];
	s0 =	simm.s32 @p1 $0x1  }
0x15: {  	[smem:$0x3FB9] =	sst s0;
	s0 =	simm.s32 @!p2 $0x0  }
0x16: {  	s3 =	sld [smem:$0x3FDB];
	s0 =	simm.s32 @p2 $0x1  }
0x17: {  	s4 =	simm.s32 $0x1BF5;
	[smem:$0x3FBB] =	sst s0  }
0x18: {  	s0 =	sld [smem:$0x3F9E];
	_ =	swait.ge [sflag:s4], $0x0  }
0x19: {  	s7 =	sld [smem:$0x3F9F]  }
0x1a: {  	s8 =	sadd.s32 $0xFFFFE003, lr  }
0x1b: {  	s9 =	sadd.s32 $0xFFFFFEF7, lr;
	s5 =	simm.s32 $0xFFFFFFFF;
	p2 =	slt.u32 s8, $0xFFFFF086  }
0x1c: {  	p1 =	slt.u32 s9, $0xF7A;
	s5 =	simm.s32 @!p2 $0x0  }
0x1d: {  	s5 =	simm.s32 @p1 $0x1;
	p0 =	seq.s32 s7, s2  }
0x1e: {  	s7 =	smul.u32 @!p0 $0xF7A, s2;
	p2 =	seq.s32 @!p0 s5, $0x0  }
0x1f: {  	s9 =	smul.u32 $0xF7A, s1;
	s8 =	simm.s32 @!p0 $0x1BF5;
	p2 =	por !p2, p0  }
0x20: {  	[sflag:s8] =	ssyncset.s32 @!p0 $0xFFFFF086;
	s6 =	sadd.s32 @!p0 s3, s7;
	s7 =	simm.s32 @!p0 $0x108  }
0x21: {  	s3 =	sadd.s32 s3, s9;
	s6 =	sadd.s32 @!p0 $0x88, s6;
	s7 =	simm.s32 @p2 $0x1082  }
0x22: {  	[simem:s7], [sflag:s8] =	dma.local @!p0 [hbm:s6], $0xF7A  }
0x23: {  	s9 =	sor.u32 $0xD0000000, s2;
	s6 =	simm.s32 $0x108;
	_ =	swait.ge @!p0 [sflag:s8], $0x0  }
0x24: {  	s3 =	sadd.s32 $0x88, s3;
	s6 =	simm.s32 @!p1 $0x1082;
	[sflag:s4] =	ssyncset.s32 $0xFFFFF086  }
0x25: {  	[simem:s6], [sflag:s4] =	dma.local [hbm:s3], $0xF7A  }
0x26: {  	[smem:$0x3F9F] =	sst s1;
	(tag) =	ssettag s2;
	_ =	strace s9  }
0x27: {  	s1 =	sld [smem:$0x3FAF]  }
0x28: {  	s2 =	sld [smem:$0x3FB0]  }
0x29: {  	s4 =	sld [smem:$0x3FB2]  }
0x2a: {  	p0 =	seq.s32 s5, $0x0;
	s5 =	sld [smem:$0x3FB3]  }
0x2b: {  	s6 =	sld [smem:$0x3FB4]  }
0x2c: {  	s7 =	sld [smem:$0x3FB5]  }
0x2d: {  	s3 =	simm.s32 $0x108;
	s8 =	sld [smem:$0x3FB6]  }
0x2e: {  	s3 =	simm.s32 @!p0 $0x1082;
	s9 =	sld [smem:$0x3FB7]  }
0x2f: {  	lr =	sadd.s32 s0, s3;
	s0 =	sld [smem:$0x3FAE]  }
0x30: {  	s3 =	sld [smem:$0x3FB1]  }
0x31: {  	[smem:$0x3FBA] =	sst s10  }
0x32: {  	s10 =	sld [smem:$0x3FB8];
	_ =	sdelay $0x3  }
0x33: {  	p0 =	seq.s32 s10, $0x1;
	s10 =	sld [smem:$0x3FBA];
	_ =	sdelay $0x3  }
0x34: {  	[smem:$0x3FBA] =	sst s10  }
0x35: {  	s10 =	sld [smem:$0x3FB9];
	_ =	sdelay $0x3  }
0x36: {  	p1 =	seq.s32 s10, $0x1;
	s10 =	sld [smem:$0x3FBA];
	_ =	sdelay $0x3  }
0x37: {  	[smem:$0x3FBA] =	sst s10  }
0x38: {  	s10 =	sld [smem:$0x3FBB]  }
0x39: {  	_ = 	snop;
	(pc) =	sbr.ind lr, $3  }
0x3a: {  	_ = 	snop  }
0x3b: {  	_ = 	snop  }
0x3c: {  	p2 =	seq.s32 s10, $0x1;
	s10 =	sld [smem:$0x3FBA]  }
0x3d: {  	_ =	shalt  }
0x3e: {  	_ =	shalt  }
0x3f: {  	_ =	shalt  }
0x40: {  	_ =	shalt  }
0x41: {  	_ =	shalt  }
0x42: {  	_ =	shalt  }
0x43: {  	_ =	shalt  }
0x44: {  	_ =	shalt  }
0x45: {  	_ =	shalt  }
0x46: {  	_ =	shalt  }
0x47: {  	_ =	shalt  }
0x48: {  	_ =	shalt  }
0x49: {  	_ =	shalt  }
0x4a: {  	_ =	shalt  }
0x4b: {  	_ =	shalt  }
0x4c: {  	_ =	shalt  }
0x4d: {  	_ =	shalt  }
0x4e: {  	_ =	shalt  }
0x4f: {  	_ =	shalt  }
0x50: {  	_ =	shalt  }
0x51: {  	_ =	shalt  }
0x52: {  	_ =	shalt  }
0x53: {  	_ =	shalt  }
0x54: {  	_ =	shalt  }
0x55: {  	_ =	shalt  }
0x56: {  	_ =	shalt  }
0x57: {  	_ =	shalt  }
0x58: {  	_ =	shalt  }
0x59: {  	_ =	shalt  }
0x5a: {  	_ =	shalt  }
0x5b: {  	_ =	shalt  }
0x5c: {  	_ =	shalt  }
0x5d: {  	_ =	shalt  }
0x5e: {  	_ =	shalt  }
0x5f: {  	_ =	shalt  }
0x60: {  	_ =	shalt  }
0x61: {  	_ =	shalt  }
0x62: {  	_ =	shalt  }
0x63: {  	_ =	shalt  }
0x64: {  	_ =	shalt  }
0x65: {  	_ =	shalt  }
0x66: {  	_ =	shalt  }
0x67: {  	_ =	shalt  }
0x68: {  	_ =	shalt  }
0x69: {  	_ =	shalt  }
0x6a: {  	_ =	shalt  }
0x6b: {  	_ =	shalt  }
0x6c: {  	_ =	shalt  }
0x6d: {  	_ =	shalt  }
0x6e: {  	_ =	shalt  }
0x6f: {  	_ =	shalt  }
0x70: {  	_ =	shalt  }
0x71: {  	_ =	shalt  }
0x72: {  	_ =	shalt  }
0x73: {  	_ =	shalt  }
0x74: {  	_ =	shalt  }
0x75: {  	_ =	shalt  }
0x76: {  	_ =	shalt  }
0x77: {  	_ =	shalt  }
0x78: {  	_ =	shalt  }
0x79: {  	_ =	shalt  }
0x7a: {  	_ =	shalt  }
0x7b: {  	_ =	shalt  }
0x7c: {  	_ =	shalt  }
0x7d: {  	_ =	shalt  }
0x7e: {  	_ =	shalt  }
0x7f: {  	_ =	shalt  }
0x80: {  	_ =	shalt  }
0x81: {  	_ =	shalt  }
0x82: {  	_ =	shalt  }
0x83: {  	_ =	shalt  }
0x84: {  	_ =	shalt  }
0x85: {  	_ =	shalt  }
0x86: {  	_ =	shalt  }
0x87: {  	_ =	shalt  }
.Lfunc_end0:
.L_simem_size_0:
called_computation_lowered:
.L_overlay_start_0:
0x88: {  	s2 =	sld [smem:$0x3FD9]  }
0x89: {  	s3 =	sld [smem:$0x3FFE];
	_ =	sdelay $0x1  }
0x8a: {  	s1 =	srdreg.scid  }
0x8b: {  	s0 =	sand.u32 $0x1, s1  }
0x8c: {  	s18 =	sshll.u32 s0, $0xA;
	s2 =	sadd.s32 s3, s2  }
0x8d: {  	s2 =	sadd.s32 s2, s18  }
0x8e: {  	[smem:$0x3FC6] =	sst s2  }
0x8f: {  	_ = 	snop  }
0x90: {  	s2 =	sld [smem:$0x3FC9]  }
0x91: {  	s19 =	sld [smem:$0x3FC8]  }
0x92: {  	s4 =	sld [smem:$0x3FD0];
	(tm) =	ssettm $0x1  }
0x93: {  	s5 =	sld [smem:$0x3FFB];
	_ =	sdelay $0x3  }
0x94: {  	_ =	strace s5  }
0x95: {  	s5 =	sld [smem:$0x3FFC];
	_ =	sdelay $0x3  }
0x96: {  	_ =	strace s5  }
0x97: {  	s5 =	sld [smem:$0x3FFD];
	_ =	sdelay $0x3  }
0x98: {  	_ =	strace s5  }
0x99: {  	_ =	strace $0x8FFFFFFF  }
0x9a: {  	s20 =	sld [smem:$0x3FDB];
	_ =	sdelay $0x1  }
0x9b: {  	s6 =	simm.s32 $_scs_section_size  }
0x9c: {  	s7 =	simm.s32 $_size__tile_overlayer_lowered;
	s8 =	simm.s32 $_tile_overlayer_lowered  }
0x9d: {  	s23 =	simm.s32 $0x1BFF;
	s22 =	sshll.u32 s8, $0x1;
	s5 =	sadd.s32 s6, s20  }
0x9e: {  	s9 =	simm.s32 $0x0;
	s21 =	sshll.u32 s7, $0x1;
	s7 =	sadd.s32 s22, s5  }
0x9f: {  	[timem:s9], [sflag:s23] =	dma.local [hbm:s7], s21  }
0xa0: {  	_ =	swait.ge [sflag:s23], s21  }
0xa1: {  	s6 =	ssub.s32 $0x0, s21;
	[sflag:s23] =	ssyncset.done $0x0  }
0xa2: {  	[sflag:s23] =	ssyncadd.s32 s6;
	_ =	sdelay $0x1  }
0xa3: {  	s24 =	simm.s32 $0x1B8B  }
0xa4: {  	_ =	swait.ge [sflag:s24], $0x1  }
0xa5: {  	[sflag:s24] =	ssyncset.done $0x0  }
0xa6: {  	s25 =	simm.s32 $0x1B8E;
	[sflag:s24] =	ssyncadd.s32 $0xFFFFFFFF  }
0xa7: {  	s26 =	simm.s32 $execute0_lowered;
	[smem:$0x3FD2] =	sst s25  }
0xa8: {  	s6 =	sshll.u32 s26, $0x1;
	_ =	strace $0x80000046;
	[dreg:$0x1] =	wrdreg $0xFFFFFFFF  }
0xa9: {  	s28 =	simm.s32 $_size_execute0_lowered;
	s5 =	sadd.s32 s5, s6;
	[dreg:$0x0] =	wrdreg $0x0  }
0xaa: {  	s6 =	sshll.u32 s28, $0x1;
	[dreg:$0x2] =	wrdreg s5  }
0xab: {  	[dreg:$0x3] =	wrdreg s6  }
0xac: {  	[dreg:$0x4] =	wrdreg $0xC0  }
0xad: {  	_ =	task [dreg:s9], $0x5FFFF  }
0xae: {  	[dreg:$0x1] =	wrdreg $0xFFFFFFFF  }
0xaf: {  	[dreg:$0x0] =	wrdreg $0x60  }
0xb0: {  	[dreg:$0x2] =	wrdreg s2  }
0xb1: {  	[dreg:$0x3] =	wrdreg s19  }
0xb2: {  	[dreg:$0x4] =	wrdreg s4  }
0xb3: {  	[dreg:$0x5] =	wrdreg $0x9  }
0xb4: {  	_ =	task.clear_ibuf [dreg:s9], $0x6FFFF;
	_ =	strace $0x90000046  }
0xb5: {  	s29 =	simm.s32 $0x9;
	_ =	strace $0x80000048  }
0xb6: {  	_ =	swait.ge [sflag:s29], $0x1  }
0xb7: {  	[sflag:s29] =	ssyncadd.s32 $0xFFFFFFFF  }
0xb8: {  	_ =	strace $0x90000048  }
0xb9: {  	_ =	sfence  }
0xba: {  	s30 =	sld [smem:$0x0];
	_ =	sdelay $0x2  }
0xbb: {  	s31 =	sshll.u32 s1, $0xD;
	s1 =	sshrl.u32 s1, $0x2  }
0xbc: {  	s3 =	sand.u32 $0x4000, s31;
	s1 =	sadd.s32 s1, s30  }
0xbd: {  	s0 =	sor.u32 s3, s0;
	s1 =	sshll.u32 s1, $0x11  }
0xbe: {  	s0 =	sor.u32 s1, s0  }
0xbf: {  	s0 =	sadd.s32 $0x8F2B, s0  }
0xc0: {  	[sflag:s0] =	ssyncadd.remote.s32 $0x1  }
0xc1: {  	_ =	sfence.sel $0xFFFF  }
0xc2: {  	[dreg:$0x0] =	wrdreg $0xFFFFFFFF;
	(pc) =	sbr.abs _section_cstart, $3  }
0xc3: {  	[dreg:$0x1] =	wrdreg $0xFFFFFFFF  }
0xc4: {  	_ =	task.clear_ibuf [dreg:s9], $0x2FFFF;
	_ =	strace $0x9FFFFFFF  }
0xc5: {  	(tm) =	ssettm $0x7FFFFFFF  }
tec
execute0_lowered:
.L_overlay_start_1:
0x0: {  	(tag) =	ssettag $0x1  }
0x1: {  	s1 =	rddreg [dreg:$0x0]  }
0x2: {  	s0 =	srdreg.scid;
	s11 =	rddreg [dreg:$0x1]  }
0x3: {  	s2 =	stileid.u32;
	s3 =	rddreg [dreg:$0x2]  }
0x4: {  	s5 =	simm.s32 $0x0;
	s15 =	simm.s32 $0x2380;
	s17 =	simm.s32 $0x7  }
0x5: {  	s18 =	simm.s32 $0x7F80;
	s19 =	simm.s32 $0x2;
	s20 =	simm.s32 $0x4  }
0x6: {  	s21 =	simm.s32 $0x9F80;
	s22 =	simm.s32 $0x5;
	s23 =	simm.s32 $0x6  }
0x7: {  	s24 =	simm.s32 $0x0;
	s0 =	sand.u32 $0x1, s0;
	s2 =	sshll.u32 s2, $0x1  }
0x8: {  	[smem:$0x7FF] =	sst s5;
	s12 =	sadd.s32 $0x8000, s1;
	s2 =	sor.u32 s0, s2  }
0x9: {  	s0 =	ssub.s32 $0x2, s0;
	_ =	strace $0x80000047;
	s4 =	smul.u32 $0x1800, s2  }
0xa: {  	s6 =	sshrl.u32 s0, $0x1;
	s10 =	sshll.u32 s2, $0xA;
	s13 =	smul.u32 $0x60, s2  }
0xb: {  	v6 =	vlaneseq.u32;
	v4 =	vimm.s32 $0x0;
	s7 =	sshll.u32 s2, $0xD;
	s0 =	ssub.s32 s0, s6;
	s31 =	sadd.s32 s1, s10  }
0xc: {  	v0 =	vmul.u32 $0x3, v6;
	v5 =	vshrl.u32 v6, $0x2;
	v6 =	vand.u32 $0x3, v6;
	s10 =	sadd.s32 s10, s12;
	s9 =	sshrl.u32 s4, $0x3;
	[dreg:$0x5] =	wrdreg s31  }
0xd: {  	v7 =	vor.u32 $0x4, v5;
	v8 =	vor.u32 $0x8, v5;
	v9 =	vor.u32 $0xC, v5;
	s11 =	sadd.s32 s11, s13;
	s13 =	simm.s32 $0x780;
	s30 =	sadd.s32 s1, s9  }
0xe: {  	v1 =	vadd.s32 $0x1, v0;
	v2 =	vadd.s32 $0x2, v0;
	v3 =	vadd.s32 $0x3, v0;
	s9 =	sadd.s32 s9, s12;
	s12 =	smax.u32 s0, $0x1;
	[dreg:$0x4] =	wrdreg s30  }
.LBB2_1:
0xf: {  	s0 =	rddreg [dreg:$0x4]  }
0x10: {  	[tilespmem:s13], [sflag:$0x1] =	stream.linear.gather [hbm4b:s0+s5], $0x1C00, $0x38;
	[tilespmem:$0xBF80] =	vst v63  }
0x11: {  	s30 =	rddreg [dreg:$0x5];
	s2 =	simm.s32 $0x3F80  }
0x12: {  	[tilespmem:s2], [sflag:$0x3] =	stream.linear.gather [hbm4b:s30+s5], $0x2000, $0x38;
	[tilespmem:$0xBF80] =	vst v63  }
0x13: {  	_ = 	snop  }
0x14: {  	[tilespmem:s15], [sflag:$0x2] =	stream.linear.gather [hbm4b:s9+s5], $0x1C00, $0x38;
	[tilespmem:$0xBF80] =	vst v63  }
0x15: {  	s31 =	simm.s32 $0x5F80  }
0x16: {  	[tilespmem:s31], [sflag:$0x4] =	stream.linear.gather [hbm4b:s10+s5], $0x2000, $0x38;
	[tilespmem:$0xBF80] =	vst v63  }
0x17: {  	_ = 	snop  }
0x18: {  	[tilespmem:s5], [sflag:$0x7] =	stream.linear.gather [hbm4b:s11+s5], $0x380, $0x38;
	[tilespmem:$0xBF80] =	vst v63  }
0x19: {  	_ =	swait.ge [sflag:s17], $0x380  }
0x1a: {  	[sflag:s17] =	ssyncset.done $0x0  }
0x1b: {  	s0 =	simm.s32 $0x0;
	s2 =	simm.s32 $0x40;
	[sflag:s17] =	ssyncadd.s32 $0xFFFFFC80  }
.LBB2_2:
0x1c: {  	p0 =	sne.s32 s2, $0xDC0;
	v10 =	vld [tilespmem:s0+$0x0];
	_ =	sdelay $0x4  }
0x1d: {  	v10 =	vsub.f32 $2.500000000e-01, v10;
	_ =	sdelay $0x1  }
0x1e: {  	v10 =	vmul.f32 $1.442695020e+00, v10;
	_ =	sdelay $0x1  }
0x1f: {  	(erf) = vpow2.f32 v10;
	_ =	sdelay $0x5  }
.Ltmp0:
0x20: {  	(pc) =	sbr.rel @p0 .LBB2_2-.Ltmp0, $3  }
0x21: {  	_ =	sdelay $0x1  }
0x22: {  	v10 =	vpop (erf)  }
0x23: {  	[tilespmem:s0+$0x0] =	vst v10;
	s0 =	sshra.s32 s2, $0x2;
	s2 =	sadd.s32 $0x40, s2  }
0x24: {  	v10 =	vld [tilespmem:s0+$0x0];
	_ =	sdelay $0x4  }
0x25: {  	v10 =	vsub.f32 $2.500000000e-01, v10;
	_ =	sdelay $0x1  }
0x26: {  	v10 =	vmul.f32 $1.442695020e+00, v10;
	_ =	sdelay $0x1  }
0x27: {  	(erf) = vpow2.f32 v10;
	_ =	sdelay $0x4  }
0x28: {  	s2 =	simm.s32 $0x0  }
0x29: {  	v10 =	vadd.s32 s2, v0;
	_ =	sdelay $0x2  }
0x2a: {  	v11 =	vpop (erf)  }
0x2b: {  	s2 =	simm.s32 $0x0;
	[tilespmem:s0+$0x0] =	vst v11  }
0x2c: {  	s30 =	simm.s32 $0x1;
	v10 =	vld.idx.msk [tilespmem:v10+s2+$0x0], $0xffff  }
0x2d: {  	v11 =	vadd.s32 s30, v0;
	_ =	sdelay $0x2  }
0x2e: {  	s0 =	simm.s32 $0x3A0  }
0x2f: {  	[tilespmem:s0+$0xFFFFFFE0] =	vst v10  }
0x30: {  	s14 =	simm.s32 $0x2;
	v10 =	vld.idx.msk [tilespmem:v11+s2+$0x0], $0xffff  }
0x31: {  	v11 =	vadd.s32 s14, v0;
	_ =	sdelay $0x3  }
0x32: {  	[tilespmem:s0+$0xFFFFFFF0] =	vst v10  }
0x33: {  	s31 =	simm.s32 $0x3;
	v10 =	vld.idx.msk [tilespmem:v11+s2+$0x0], $0xffff  }
0x34: {  	v11 =	vadd.s32 s31, v0;
	_ =	sdelay $0x3  }
0x35: {  	[tilespmem:s0+$0x0] =	vst v10  }
0x36: {  	s25 =	simm.s32 $0x30;
	s16 =	simm.s32 $0x63;
	s14 =	simm.s32 $0x33;
	v10 =	vld.idx.msk [tilespmem:v11+s2+$0x0], $0xffff  }
.LBB2_4:
0x37: {  	p0 =	sne.s32 s16, $0x2D3;
	v11 =	vadd.s32 s25, v0;
	_ =	sdelay $0x3  }
0x38: {  	[tilespmem:s0+$0x10] =	vst v10  }
0x39: {  	v10 =	vld.idx.msk [tilespmem:v11+s2+$0x0], $0xffff  }
0x3a: {  	s25 =	sadd.s32 $0xFFFFFFFE, s14  }
0x3b: {  	v11 =	vadd.s32 s25, v0;
	_ =	sdelay $0x2  }
0x3c: {  	s0 =	sadd.s32 $0x40, s0  }
0x3d: {  	[tilespmem:s0+$0xFFFFFFE0] =	vst v10  }
0x3e: {  	v10 =	vld.idx.msk [tilespmem:v11+s2+$0x0], $0xffff  }
0x3f: {  	s25 =	sadd.s32 $0xFFFFFFFF, s14  }
0x40: {  	v11 =	vadd.s32 s25, v0;
	_ =	sdelay $0x3  }
0x41: {  	[tilespmem:s0+$0xFFFFFFF0] =	vst v10  }
0x42: {  	v10 =	vld.idx.msk [tilespmem:v11+s2+$0x0], $0xffff;
	_ =	sdelay $0x1  }
0x43: {  	v11 =	vadd.s32 s14, v0;
	s14 =	smov.u32 s16;
	_ =	sdelay $0x1  }
.Ltmp1:
0x44: {  	(pc) =	sbr.rel @p0 .LBB2_4-.Ltmp1, $4  }
0x45: {  	_ = 	snop  }
0x46: {  	[tilespmem:s0+$0x0] =	vst v10  }
0x47: {  	v10 =	vld.idx.msk [tilespmem:v11+s2+$0x0], $0xffff  }
0x48: {  	s16 =	sadd.s32 $0x30, s16;
	s25 =	sadd.s32 $0xFFFFFFFD, s14  }
0x49: {  	v11 =	vadd.s32 s25, v0;
	_ =	sdelay $0x3  }
0x4a: {  	s25 =	simm.s32 $0x0;
	[tilespmem:s0+$0x10] =	vst v10  }
0x4b: {  	s2 =	sadd.s32 $0xFFFFFFFE, s14;
	v10 =	vld.idx.msk [tilespmem:v11+s25+$0x0], $0xffff  }
0x4c: {  	v11 =	vadd.s32 s2, v0;
	_ =	sdelay $0x2  }
0x4d: {  	s30 =	sadd.s32 $0x40, s0  }
0x4e: {  	[tilespmem:s30+$0xFFFFFFE0] =	vst v10  }
0x4f: {  	s31 =	sadd.s32 $0xFFFFFFFF, s14;
	v10 =	vld.idx.msk [tilespmem:v11+s25+$0x0], $0xffff  }
0x50: {  	v11 =	vadd.s32 s31, v0;
	_ =	sdelay $0x3  }
0x51: {  	[tilespmem:s30+$0xFFFFFFF0] =	vst v10  }
0x52: {  	v10 =	vld.idx.msk [tilespmem:v11+s25+$0x0], $0xffff  }
0x53: {  	v11 =	vadd.s32 s14, v0;
	_ =	sdelay $0x3  }
0x54: {  	[tilespmem:s30+$0x0] =	vst v10  }
0x55: {  	v10 =	vld.idx.msk [tilespmem:v11+s25+$0x0], $0xffff;
	_ =	sdelay $0x4  }
0x56: {  	[tilespmem:s30+$0x10] =	vst v10  }
.LBB2_6:
0x57: {  	p0 =	seq.s32 s25, $0x0  }
0x58: {  	s26 =	sshllo.u32 s25, $0x1;
	s0 =	simm.s32 @p0 $0x1  }
0x59: {  	s2 =	sshll.u32 @!p0 s26, $0x12;
	_ =	swait.ge @p0 [sflag:s0], $0x1C00  }
0x5a: {  	s14 =	sor.u32 @!p0 s4, s2;
	[sflag:s0] =	ssyncset.done @p0 $0x0  }
0x5b: {  	[sflag:s0] =	ssyncadd.s32 @p0 $0xFFFFE400;
	s0 =	sshrl.u32 @!p0 s14, $0x3  }
0x5c: {  	s16 =	simm.s32 @!p0 $0x2380;
	s14 =	simm.s32 @!p0 $0x0;
	s0 =	sadd.s32 @!p0 s1, s0  }
0x5d: {  	[tilespmem:s16], [sflag:$0x2] =	stream.linear.gather @!p0 [hbm4b:s0+s14], $0x1C00, $0x38;
	[tilespmem:$0xBF80] =	vst v63  }
0x5e: {  	s0 =	sor.u32 @!p0 s7, s2  }
0x5f: {  	s0 =	sshrl.u32 @!p0 s0, $0x3  }
0x60: {  	s2 =	simm.s32 @!p0 $0x5F80;
	s0 =	sadd.s32 @!p0 s1, s0  }
0x61: {  	[tilespmem:s2], [sflag:$0x4] =	stream.linear.gather @!p0 [hbm4b:s0+s14], $0x2000, $0x38;
	[tilespmem:$0xBF80] =	vst v63  }
0x62: {  	s0 =	simm.s32 @!p0 $0x1  }
0x63: {  	_ =	swait.ge @!p0 [sflag:s0], $0x1C00  }
0x64: {  	[sflag:s0] =	ssyncset.done @!p0 $0x0  }
0x65: {  	[sflag:s0] =	ssyncadd.s32 @!p0 $0xFFFFE400;
	s0 =	simm.s32 @!p0 $0x3  }
0x66: {  	_ =	swait.ge @!p0 [sflag:s0], $0x2000  }
0x67: {  	s2 =	simm.s32 @!p0 $0x5;
	[sflag:s0] =	ssyncset.done @!p0 $0x0  }
0x68: {  	s2 =	simm.s32 @p0 $0x3;
	[sflag:s0] =	ssyncadd.s32 @!p0 $0xFFFFE000  }
0x69: {  	_ =	swait.ge [sflag:s2], $0x2000  }
0x6a: {  	p1 =	por $0x0, $0x0;
	[sflag:s2] =	ssyncset.done $0x0  }
0x6b: {  	s28 =	simm.s32 $0x0;
	s29 =	simm.s32 $0x0;
	[sflag:s2] =	ssyncadd.s32 $0xFFFFE000  }
.LBB2_7:
0x6c: {  	s0 =	smul.u32 $0x30, s29  }
0x6d: {  	s14 =	simm.s32 $0x1  }
0x6e: {  	v13 =	vmov s14;
	v10 =	vadd.s32 s0, v0  }
0x6f: {  	v12 =	vadd.s32 s0, v1;
	v13 =	vshll.u32 v13, $0x7;
	v15 =	vadd.s32 s0, v2  }
0x70: {  	v11 =	vshll.u32 v10, $0x3;
	v10 =	vand.u32 $0x7F, v10;
	v14 =	vand.u32 $0x7F, v12  }
0x71: {  	s2 =	simm.s32 $0x0;
	v12 =	vshll.u32 v12, $0x3;
	v13 =	vand.u32 $0x380, v13;
	v11 =	vand.u32 $0x3C00, v11  }
0x72: {  	v19 =	vbroadcast v13, $0x0;
	v10 =	vor.u32 v10, v11;
	v11 =	vmov s2  }
0x73: {  	v13 =	vshll.u32 v15, $0x3;
	v15 =	vand.u32 $0x7F, v15;
	v11 =	vshll.u32 v11, $0x7  }
0x74: {  	s6 =	sshll.u32 s29, $0x6;
	v13 =	vand.u32 $0x3C00, v13;
	v21 =	vor.u32 v19, v10;
	v11 =	vand.u32 $0x300, v11  }
0x75: {  	s2 =	sand.u32 $0x3C0, s6;
	v16 =	vor.u32 v15, v13;
	v18 =	vbroadcast v11, $0x0;
	v11 =	vand.u32 $0x3C00, v12  }
0x76: {  	v15 =	vld [tilespmem:s2+$0x3A0];
	v25 =	vor.u32 v19, v16;
	v11 =	vor.u32 v14, v11  }
0x77: {  	v17 =	vadd.s32 s0, v3;
	v13 =	vld [tilespmem:s2+$0x3B0];
	v22 =	vor.u32 v19, v11  }
0x78: {  	v23 =	vshll.u32 v17, $0x3;
	v12 =	vld [tilespmem:s6+$0x380];
	v20 =	vor.u32 v18, v10  }
0x79: {  	v17 =	vand.u32 $0x7F, v17;
	v23 =	vand.u32 $0x3C00, v23;
	v14 =	vld [tilespmem:s2+$0x390];
	v24 =	vor.u32 v18, v16  }
0x7a: {  	v17 =	vor.u32 v17, v23;
	v23 =	vor.u32 v18, v11;
	v21 =	vld.idx.msk [tilespmem:v21+s13+$0x0], $0xffff  }
0x7b: {  	v19 =	vor.u32 v19, v17;
	v25 =	vld.idx.msk [tilespmem:v25+s13+$0x0], $0xffff  }
0x7c: {  	s8 =	simm.s32 $0x3;
	s14 =	simm.s32 $0x2;
	v22 =	vld.idx.msk [tilespmem:v22+s13+$0x0], $0xffff  }
0x7d: {  	v26 =	vmov s8;
	v27 =	vmov s14;
	v18 =	vor.u32 v18, v17;
	v20 =	vld.idx.msk [tilespmem:v20+s13+$0x0], $0xffff  }
0x7e: {  	v26 =	vshll.u32 v26, $0x7;
	v27 =	vshll.u32 v27, $0x7;
	v24 =	vld.idx.msk [tilespmem:v24+s13+$0x0], $0xffff  }
0x7f: {  	v26 =	vand.u32 $0x380, v26;
	v27 =	vand.u32 $0x300, v27;
	v23 =	vld.idx.msk [tilespmem:v23+s13+$0x0], $0xffff  }
0x80: {  	v26 =	vbroadcast v26, $0x0;
	v27 =	vbroadcast v27, $0x0;
	v19 =	vld.idx.msk [tilespmem:v19+s13+$0x0], $0xffff  }
0x81: {  	s0 =	simm.s32 $0x1;
	v21 =	vmul.f32 v21, v12;
	v22 =	vmul.f32 v22, v14  }
0x82: {  	s16 =	sshll.u32 s28, $0x2;
	s0 =	simm.s32 @!p1 $0x0;
	v30 =	vor.u32 v26, v10;
	v28 =	vor.u32 v27, v10;
	v18 =	vld.idx.msk [tilespmem:v18+s13+$0x0], $0xffff;
	v25 =	vmul.f32 v25, v15  }
0x83: {  	s0 =	sshll.u32 s0, $0x8;
	s2 =	sand.u32 $0xFFFFF000, s16;
	v20 =	vmul.f32 v20, v12;
	v24 =	vmul.f32 v24, v15;
	vm0 =	vgt.f32 v22, v21  }
0x84: {  	s0 =	sor.u32 s0, s2;
	v23 =	vmul.f32 v23, v14;
	v21 =	vsel vm0, v22, v21;
	v22 =	vor.u32 v26, v11  }
0x85: {  	s0 =	sshrl.u32 s0, $0x2;
	v19 =	vmul.f32 v19, v13;
	v29 =	vsel vm0, $0x1, v4;
	vm1 =	vgt.f32 v25, v21  }
0x86: {  	s30 =	sadd.s32 $0x4000, s0;
	v21 =	vsel vm1, v25, v21;
	v29 =	vsel vm1, $0x2, v29;
	vm1 =	vgt.f32 v23, v20  }
0x87: {  	v18 =	vmul.f32 v18, v13;
	vm0 =	vgt.f32 v19, v21;
	v19 =	vld [tilespmem:s30+$0x0];
	v20 =	vsel vm1, v23, v20  }
0x88: {  	v28 =	vld.idx.msk [tilespmem:v28+s13+$0x0], $0xffff;
	v25 =	vor.u32 v27, v16;
	v29 =	vsel vm0, $0x3, v29;
	vm0 =	vgt.f32 v24, v20  }
0x89: {  	v23 =	vld.idx.msk [tilespmem:v22+s13+$0x0], $0xffff;
	v22 =	vperm.xlane v29, v5;
	v20 =	vsel vm0, v24, v20;
	v24 =	vsel vm1, $0x1, v4  }
0x8a: {  	v31 =	vld [tilespmem:s30+$0xFFFFFF80];
	v21 =	vor.u32 v27, v11;
	vm2 =	vgt.f32 v18, v20;
	v18 =	vsel vm0, $0x2, v24  }
0x8b: {  	v27 =	vor.u32 v27, v17;
	vm1 =	veq.s32 v22, v6;
	v18 =	vsel vm2, $0x3, v18  }
0x8c: {  	v30 =	vld.idx.msk [tilespmem:v30+s13+$0x0], $0xffff;
	s0 =	sadd.s32 $0x8000, s0;
	v19 =	vnsel vm1, $0x0, v19;
	v20 =	vperm.xlane v18, v5  }
0x8d: {  	v25 =	vld.idx.msk [tilespmem:v25+s13+$0x0], $0xffff;
	[tilespmem:s0+$0x0] =	vst v19  }
0x8e: {  	v35 =	vor.u32 v26, v16;
	v36 =	vperm.xlane v29, v7;
	v34 =	vld [tilespmem:s30+$0x10];
	vm0 =	veq.s32 v20, v6  }
0x8f: {  	v24 =	vmul.f32 v28, v12;
	v32 =	vld.idx.msk [tilespmem:v21+s13+$0x0], $0xffff;
	v21 =	vor.u32 v26, v17;
	v26 =	vnsel vm0, $0x0, v31  }
0x90: {  	v22 =	vperm.xlane v29, v8;
	v20 =	vperm.xlane v29, v9;
	v29 =	vld.idx.msk [tilespmem:v27+s13+$0x0], $0xffff;
	[tilespmem:s0+$0xFFFFFF80] =	vst v26  }
0x91: {  	v33 =	vperm.xlane v18, v7;
	v19 =	vperm.xlane v18, v8;
	v27 =	vld [tilespmem:s30+$0xFFFFFF90]  }
0x92: {  	v28 =	vmul.f32 v23, v14;
	vm0 =	veq.s32 v36, v6;
	v26 =	vmul.f32 v30, v12  }
0x93: {  	v18 =	vperm.xlane v18, v9;
	v23 =	vmul.f32 v25, v15;
	v30 =	vld.idx.msk [tilespmem:v35+s13+$0x0], $0xffff;
	v31 =	vnsel vm0, $0x0, v34  }
0x94: {  	s14 =	simm.s32 $0x4;
	s2 =	sadd.s32 $0x100, s30;
	s31 =	smov.u32 s0;
	v25 =	vmul.f32 v32, v14;
	vm2 =	vgt.f32 v28, v26;
	vm0 =	veq.s32 v33, v6;
	[tilespmem:s0+$0x10] =	vst v31  }
.LBB2_8:
0x95: {  	p2 =	slt.u32 s14, $0x6  }
0x96: {  	v29 =	vmul.f32 v29, v13;
	v27 =	vnsel vm0, $0x0, v27;
	s0 =	sadd.s32 $0x100, s0;
	s16 =	smov.u32 s14;
	s14 =	sadd.s32 $0x2, s14  }
0x97: {  	[tilespmem:s31+$0xFFFFFF90] =	vst v27;
	v27 =	vld [tilespmem:s30+$0x20]  }
0x98: {  	vm1 =	veq.s32 v18, v6;
	vm4 =	veq.s32 v22, v6;
	vm0 =	veq.s32 v20, v6;
	s6 =	sadd.s32 $0x1, s16;
	v31 =	vld [tilespmem:s30+$0xFFFFFFA0]  }
0x99: {  	vm5 =	veq.s32 v19, v6;
	v18 =	vmov s16;
	v20 =	vmov s6  }
0x9a: {  	v18 =	vshll.u32 v18, $0x7;
	v19 =	vshll.u32 v20, $0x7;
	v20 =	vsel vm2, $0x1, v4;
	v21 =	vld.idx.msk [tilespmem:v21+s13+$0x0], $0xffff  }
0x9b: {  	vm3 =	vgt.f32 v25, v24;
	v18 =	vand.u32 $0x300, v18;
	v19 =	vand.u32 $0x380, v19  }
0x9c: {  	v22 =	vsel vm2, v28, v26;
	v26 =	vmul.f32 v30, v15;
	v19 =	vbroadcast v19, $0x0  }
0x9d: {  	v18 =	vbroadcast v18, $0x0;
	v27 =	vnsel vm4, $0x0, v27;
	v28 =	vnsel vm5, $0x0, v31  }
0x9e: {  	vm2 =	vgt.f32 v26, v22;
	v30 =	vor.u32 v19, v10;
	v31 =	vor.u32 v19, v11;
	[tilespmem:s31+$0xFFFFFFA0] =	vst v28  }
0x9f: {  	v24 =	vsel vm3, v25, v24;
	v32 =	vor.u32 v18, v11;
	v28 =	vor.u32 v18, v10;
	v25 =	vld [tilespmem:s30+$0xFFFFFFB0];
	[tilespmem:s31+$0x20] =	vst v27  }
0xa0: {  	v33 =	vor.u32 v18, v17;
	v27 =	vor.u32 v18, v16;
	v18 =	vmul.f32 v21, v13;
	v34 =	vld [tilespmem:s30+$0x30];
	s30 =	smov.u32 s2  }
0xa1: {  	vm4 =	vgt.f32 v23, v24;
	v22 =	vsel vm2, v26, v22;
	v20 =	vsel vm2, $0x2, v20;
	v35 =	vld [tilespmem:s2+$0xFFFFFF80]  }
0xa2: {  	v23 =	vsel vm4, v23, v24;
	v21 =	vor.u32 v19, v17;
	vm2 =	vgt.f32 v18, v22;
	v18 =	vld [tilespmem:s2+$0x0]  }
0xa3: {  	v22 =	vsel vm3, $0x1, v4;
	vm3 =	vgt.f32 v29, v23;
	v20 =	vsel vm2, $0x3, v20;
	v31 =	vld.idx.msk [tilespmem:v31+s13+$0x0], $0xffff  }
0xa4: {  	v22 =	vsel vm4, $0x2, v22;
	v24 =	vperm.xlane v20, v5;
	v23 =	vld.idx.msk [tilespmem:v28+s13+$0x0], $0xffff;
	v25 =	vnsel vm1, $0x0, v25  }
0xa5: {  	v22 =	vsel vm3, $0x3, v22;
	v26 =	vld.idx.msk [tilespmem:v30+s13+$0x0], $0xffff;
	v30 =	vor.u32 v19, v16;
	[tilespmem:s31+$0xFFFFFFB0] =	vst v25;
	v25 =	vnsel vm0, $0x0, v34  }
0xa6: {  	v34 =	vperm.xlane v22, v7;
	vm0 =	veq.s32 v24, v6;
	v28 =	vld.idx.msk [tilespmem:v27+s13+$0x0], $0xffff;
	v27 =	vperm.xlane v22, v5  }
0xa7: {  	v36 =	vperm.xlane v20, v7;
	v19 =	vperm.xlane v22, v8;
	v32 =	vld.idx.msk [tilespmem:v32+s13+$0x0], $0xffff;
	v24 =	vnsel vm0, $0x0, v18;
	[tilespmem:s31+$0x30] =	vst v25;
	s31 =	smov.u32 s0  }
0xa8: {  	v18 =	vperm.xlane v22, v9;
	v22 =	vperm.xlane v20, v8;
	vm0 =	veq.s32 v27, v6;
	[tilespmem:s0+$0x0] =	vst v24  }
0xa9: {  	v20 =	vperm.xlane v20, v9;
	v24 =	vnsel vm0, $0x0, v35;
	v35 =	vld [tilespmem:s2+$0x10]  }
0xaa: {  	v29 =	vld.idx.msk [tilespmem:v33+s13+$0x0], $0xffff;
	[tilespmem:s0+$0xFFFFFF80] =	vst v24  }
.Ltmp2:
0xab: {  	v24 =	vmul.f32 v23, v12;
	v26 =	vmul.f32 v26, v12;
	v27 =	vld [tilespmem:s2+$0xFFFFFF90];
	(pc) =	sbr.rel @p2 .LBB2_8-.Ltmp2, $4  }
0xac: {  	_ = 	snop  }
0xad: {  	vm1 =	veq.s32 v36, v6;
	v23 =	vmul.f32 v28, v15;
	v28 =	vmul.f32 v31, v14  }
0xae: {  	vm0 =	veq.s32 v34, v6;
	s2 =	sadd.s32 $0x100, s2;
	v25 =	vmul.f32 v32, v14;
	v31 =	vnsel vm1, $0x0, v35  }
0xaf: {  	vm2 =	vgt.f32 v28, v26;
	v30 =	vld.idx.msk [tilespmem:v30+s13+$0x0], $0xffff;
	[tilespmem:s0+$0x10] =	vst v31  }
0xb0: {  	_ =	sdelay $0x3  }
0xb1: {  	v10 =	vld.idx.msk [tilespmem:v21+s13+$0x0], $0xffff;
	_ =	sdelay $0x1  }
0xb2: {  	vm1 =	vgt.f32 v25, v24;
	v12 =	vmul.f32 v29, v13  }
0xb3: {  	v14 =	vsel vm2, v28, v26;
	v47 =	vsel vm1, v25, v24;
	v11 =	vmul.f32 v30, v15  }
0xb4: {  	v16 =	vsel vm2, $0x1, v4;
	v49 =	vsel vm1, $0x1, v4;
	vm3 =	vgt.f32 v23, v47  }
0xb5: {  	v48 =	vsel vm3, v23, v47;
	v10 =	vmul.f32 v10, v13;
	vm13 =	vgt.f32 v11, v14  }
0xb6: {  	v17 =	vld [tilespmem:s2+$0xFFFFFF80];
	v50 =	vsel vm3, $0x2, v49;
	vm14 =	vgt.f32 v12, v48;
	v11 =	vsel vm13, v11, v14  }
0xb7: {  	v51 =	vsel vm13, $0x2, v16;
	vm15 =	vgt.f32 v10, v11;
	v10 =	vld [tilespmem:s2+$0x0];
	v11 =	vsel vm14, $0x3, v50  }
0xb8: {  	v52 =	vsel vm15, $0x3, v51;
	v53 =	vperm.xlane v11, v5  }
0xb9: {  	v54 =	vperm.xlane v52, v5  }
0xba: {  	vm4 =	veq.s32 v53, v6  }
0xbb: {  	s0 =	sadd.s32 $0x100, s0;
	vm5 =	veq.s32 v54, v6;
	v13 =	vnsel vm4, $0x0, v17  }
0xbc: {  	v10 =	vnsel vm5, $0x0, v10;
	[tilespmem:s0+$0xFFFFFF80] =	vst v13  }
0xbd: {  	[tilespmem:s0+$0x0] =	vst v10;
	v10 =	vld [tilespmem:s2+$0xFFFFFF90]  }
0xbe: {  	v55 =	vld [tilespmem:s2+$0x10]  }
0xbf: {  	v56 =	vperm.xlane v11, v7  }
0xc0: {  	v58 =	vperm.xlane v52, v7  }
0xc1: {  	v57 =	vnsel vm0, $0x0, v27;
	vm6 =	veq.s32 v56, v6  }
0xc2: {  	v60 =	vld [tilespmem:s30+$0x20];
	[tilespmem:s31+$0xFFFFFF90] =	vst v57;
	vm7 =	veq.s32 v58, v6;
	v10 =	vnsel vm6, $0x0, v10  }
0xc3: {  	v59 =	vld [tilespmem:s30+$0xFFFFFFA0];
	v13 =	vnsel vm7, $0x0, v55;
	[tilespmem:s0+$0xFFFFFF90] =	vst v10  }
0xc4: {  	[tilespmem:s0+$0x10] =	vst v13;
	v10 =	vld [tilespmem:s2+$0xFFFFFFA0]  }
0xc5: {  	v13 =	vld [tilespmem:s2+$0x20]  }
0xc6: {  	vm9 =	veq.s32 v22, v6;
	v61 =	vperm.xlane v11, v8  }
0xc7: {  	vm8 =	veq.s32 v19, v6;
	v15 =	vnsel vm9, $0x0, v60;
	v62 =	vperm.xlane v52, v8  }
0xc8: {  	[tilespmem:s31+$0x20] =	vst v15;
	v14 =	vnsel vm8, $0x0, v59;
	vm10 =	veq.s32 v61, v6  }
0xc9: {  	v15 =	vld [tilespmem:s30+$0x30];
	[tilespmem:s31+$0xFFFFFFA0] =	vst v14;
	vm11 =	veq.s32 v62, v6;
	v10 =	vnsel vm10, $0x0, v10  }
0xca: {  	v14 =	vld [tilespmem:s30+$0xFFFFFFB0];
	v13 =	vnsel vm11, $0x0, v13;
	[tilespmem:s0+$0xFFFFFFA0] =	vst v10  }
0xcb: {  	v10 =	vld [tilespmem:s2+$0xFFFFFFB0];
	[tilespmem:s0+$0x20] =	vst v13  }
0xcc: {  	s29 =	sadd.s32 $0x1, s29;
	v13 =	vld [tilespmem:s2+$0x30]  }
0xcd: {  	p2 =	sne.s32 s29, $0x10;
	vm13 =	veq.s32 v20, v6;
	v11 =	vperm.xlane v11, v9  }
.Ltmp3:
0xce: {  	vm12 =	veq.s32 v18, v6;
	v12 =	vperm.xlane v52, v9;
	v63 =	vnsel vm13, $0x0, v15;
	(pc) =	sbr.rel @p2 .LBB2_7-.Ltmp3, $4  }
0xcf: {  	vm14 =	veq.s32 v11, v6;
	[tilespmem:s31+$0x30] =	vst v63;
	v14 =	vnsel vm12, $0x0, v14  }
0xd0: {  	vm15 =	veq.s32 v12, v6;
	[tilespmem:s31+$0xFFFFFFB0] =	vst v14;
	v10 =	vnsel vm14, $0x0, v10  }
0xd1: {  	[tilespmem:s0+$0xFFFFFFB0] =	vst v10;
	v10 =	vnsel vm15, $0x0, v13  }
0xd2: {  	s28 =	sadd.s32 $0x200, s28;
	p1 =	por !p1, !p1;
	[tilespmem:s0+$0x30] =	vst v10  }
0xd3: {  	s0 =	sshll.u32 s25, $0x13  }
0xd4: {  	s2 =	sor.u32 s7, s0  }
0xd5: {  	p1 =	seq.s32 s25, $0x7;
	s2 =	sshrl.u32 s2, $0x3  }
0xd6: {  	s0 =	sadd.s32 @!p1 $0x80000, s0;
	s2 =	sadd.s32 s3, s2  }
0xd7: {  	[hbm4b:s2+s5] =	stream.linear.scatter [tilespmem:s18], [sflag:$0x5], $0x2000, $0x38;
	[tilespmem:$0xBF80] =	vst v63  }
0xd8: {  	s2 =	sor.u32 @!p1 s4, s0  }
0xd9: {  	s6 =	simm.s32 @!p1 $0x0;
	s0 =	sor.u32 @!p1 s7, s0;
	s2 =	sshrl.u32 @!p1 s2, $0x3  }
0xda: {  	s14 =	simm.s32 @!p1 $0x780;
	s0 =	sshrl.u32 @!p1 s0, $0x3;
	s2 =	sadd.s32 @!p1 s1, s2  }
0xdb: {  	[tilespmem:s14], [sflag:$0x1] =	stream.linear.gather @!p1 [hbm4b:s2+s6], $0x1C00, $0x38;
	[tilespmem:$0xBF80] =	vst v63  }
0xdc: {  	s0 =	sadd.s32 @!p1 s1, s0;
	s2 =	simm.s32 @!p1 $0x3F80  }
0xdd: {  	[tilespmem:s2], [sflag:$0x3] =	stream.linear.gather @!p1 [hbm4b:s0+s6], $0x2000, $0x38;
	[tilespmem:$0xBF80] =	vst v63  }
0xde: {  	_ =	swait.ge [sflag:s19], $0x1C00  }
0xdf: {  	[sflag:s19] =	ssyncset.done $0x0  }
0xe0: {  	[sflag:s19] =	ssyncadd.s32 $0xFFFFE400  }
0xe1: {  	_ =	swait.ge [sflag:s20], $0x2000  }
0xe2: {  	[sflag:s20] =	ssyncset.done $0x0  }
0xe3: {  	s0 =	simm.s32 @!p0 $0x6;
	[sflag:s20] =	ssyncadd.s32 $0xFFFFE000  }
0xe4: {  	_ =	swait.ge @!p0 [sflag:s0], $0x2000  }
0xe5: {  	s28 =	simm.s32 $0x0;
	s29 =	simm.s32 $0x0;
	[sflag:s0] =	ssyncset.done @!p0 $0x0  }
0xe6: {  	s30 =	simm.s32 $0x0;
	[sflag:s0] =	ssyncadd.s32 @!p0 $0xFFFFE000;
	p0 =	por $0x0, $0x0  }
.LBB2_11:
0xe7: {  	s0 =	smul.u32 $0x30, s30  }
0xe8: {  	s2 =	simm.s32 $0x1  }
0xe9: {  	v13 =	vmov s2;
	v10 =	vadd.s32 s0, v0  }
0xea: {  	v12 =	vadd.s32 s0, v1;
	v13 =	vshll.u32 v13, $0x7;
	v15 =	vadd.s32 s0, v2  }
0xeb: {  	v11 =	vshll.u32 v10, $0x3;
	v10 =	vand.u32 $0x7F, v10;
	v14 =	vand.u32 $0x7F, v12  }
0xec: {  	v12 =	vshll.u32 v12, $0x3;
	v13 =	vand.u32 $0x380, v13;
	v11 =	vand.u32 $0x3C00, v11  }
0xed: {  	v19 =	vbroadcast v13, $0x0;
	v10 =	vor.u32 v10, v11;
	v11 =	vmov s28  }
0xee: {  	v13 =	vshll.u32 v15, $0x3;
	v15 =	vand.u32 $0x7F, v15;
	v11 =	vshll.u32 v11, $0x7  }
0xef: {  	s6 =	sshll.u32 s30, $0x6;
	v13 =	vand.u32 $0x3C00, v13;
	v21 =	vor.u32 v19, v10;
	v11 =	vand.u32 $0x300, v11  }
0xf0: {  	s2 =	sand.u32 $0x3C0, s6;
	v16 =	vor.u32 v15, v13;
	v18 =	vbroadcast v11, $0x0;
	v11 =	vand.u32 $0x3C00, v12  }
0xf1: {  	v15 =	vld [tilespmem:s2+$0x3A0];
	v25 =	vor.u32 v19, v16;
	v11 =	vor.u32 v14, v11  }
0xf2: {  	v17 =	vadd.s32 s0, v3;
	v13 =	vld [tilespmem:s2+$0x3B0];
	v22 =	vor.u32 v19, v11  }
0xf3: {  	v23 =	vshll.u32 v17, $0x3;
	v12 =	vld [tilespmem:s6+$0x380];
	v20 =	vor.u32 v18, v10  }
0xf4: {  	v17 =	vand.u32 $0x7F, v17;
	v23 =	vand.u32 $0x3C00, v23;
	v14 =	vld [tilespmem:s2+$0x390];
	v24 =	vor.u32 v18, v16  }
0xf5: {  	v17 =	vor.u32 v17, v23;
	v23 =	vor.u32 v18, v11;
	v21 =	vld.idx.msk [tilespmem:v21+s15+$0x0], $0xffff  }
0xf6: {  	v19 =	vor.u32 v19, v17;
	v25 =	vld.idx.msk [tilespmem:v25+s15+$0x0], $0xffff  }
0xf7: {  	s8 =	simm.s32 $0x3;
	s14 =	simm.s32 $0x2;
	v22 =	vld.idx.msk [tilespmem:v22+s15+$0x0], $0xffff  }
0xf8: {  	v26 =	vmov s8;
	v27 =	vmov s14;
	v18 =	vor.u32 v18, v17;
	v20 =	vld.idx.msk [tilespmem:v20+s15+$0x0], $0xffff  }
0xf9: {  	v26 =	vshll.u32 v26, $0x7;
	v27 =	vshll.u32 v27, $0x7;
	v24 =	vld.idx.msk [tilespmem:v24+s15+$0x0], $0xffff  }
0xfa: {  	v26 =	vand.u32 $0x380, v26;
	v27 =	vand.u32 $0x300, v27;
	v23 =	vld.idx.msk [tilespmem:v23+s15+$0x0], $0xffff  }
0xfb: {  	v26 =	vbroadcast v26, $0x0;
	v27 =	vbroadcast v27, $0x0;
	v19 =	vld.idx.msk [tilespmem:v19+s15+$0x0], $0xffff  }
0xfc: {  	s0 =	simm.s32 $0x1;
	v21 =	vmul.f32 v21, v12;
	v22 =	vmul.f32 v22, v14  }
0xfd: {  	s16 =	sshll.u32 s29, $0x2;
	s0 =	simm.s32 @!p0 $0x0;
	v28 =	vor.u32 v27, v10;
	v30 =	vor.u32 v26, v10;
	v18 =	vld.idx.msk [tilespmem:v18+s15+$0x0], $0xffff;
	v25 =	vmul.f32 v25, v15  }
0xfe: {  	s0 =	sshll.u32 s0, $0x8;
	s2 =	sand.u32 $0xFFFFF000, s16;
	v20 =	vmul.f32 v20, v12;
	v24 =	vmul.f32 v24, v15;
	vm0 =	vgt.f32 v22, v21  }
0xff: {  	s0 =	sor.u32 s0, s2;
	v23 =	vmul.f32 v23, v14;
	v21 =	vsel vm0, v22, v21;
	v22 =	vor.u32 v26, v11  }
0x100: {  	s0 =	sshrl.u32 s0, $0x2;
	v19 =	vmul.f32 v19, v13;
	v29 =	vsel vm0, $0x1, v4;
	vm1 =	vgt.f32 v25, v21  }
0x101: {  	s31 =	sadd.s32 $0x6000, s0;
	v21 =	vsel vm1, v25, v21;
	v29 =	vsel vm1, $0x2, v29;
	vm1 =	vgt.f32 v23, v20  }
0x102: {  	v18 =	vmul.f32 v18, v13;
	vm0 =	vgt.f32 v19, v21;
	v19 =	vld [tilespmem:s31+$0x0];
	v20 =	vsel vm1, v23, v20  }
0x103: {  	v28 =	vld.idx.msk [tilespmem:v28+s15+$0x0], $0xffff;
	v25 =	vor.u32 v27, v16;
	v29 =	vsel vm0, $0x3, v29;
	vm0 =	vgt.f32 v24, v20  }
0x104: {  	v23 =	vld.idx.msk [tilespmem:v22+s15+$0x0], $0xffff;
	v22 =	vperm.xlane v29, v5;
	v20 =	vsel vm0, v24, v20;
	v24 =	vsel vm1, $0x1, v4  }
0x105: {  	v31 =	vld [tilespmem:s31+$0xFFFFFF80];
	v21 =	vor.u32 v27, v11;
	vm2 =	vgt.f32 v18, v20;
	v18 =	vsel vm0, $0x2, v24  }
0x106: {  	v27 =	vor.u32 v27, v17;
	vm1 =	veq.s32 v22, v6;
	v18 =	vsel vm2, $0x3, v18  }
0x107: {  	v30 =	vld.idx.msk [tilespmem:v30+s15+$0x0], $0xffff;
	s2 =	sadd.s32 $0xA000, s0;
	v19 =	vnsel vm1, $0x0, v19;
	v20 =	vperm.xlane v18, v5  }
0x108: {  	v25 =	vld.idx.msk [tilespmem:v25+s15+$0x0], $0xffff;
	[tilespmem:s2+$0x0] =	vst v19  }
0x109: {  	v35 =	vor.u32 v26, v16;
	v36 =	vperm.xlane v29, v7;
	v34 =	vld [tilespmem:s31+$0x10];
	vm0 =	veq.s32 v20, v6  }
0x10a: {  	v24 =	vmul.f32 v28, v12;
	v32 =	vld.idx.msk [tilespmem:v21+s15+$0x0], $0xffff;
	v21 =	vor.u32 v26, v17;
	v26 =	vnsel vm0, $0x0, v31  }
0x10b: {  	v22 =	vperm.xlane v29, v8;
	v20 =	vperm.xlane v29, v9;
	v29 =	vld.idx.msk [tilespmem:v27+s15+$0x0], $0xffff;
	[tilespmem:s2+$0xFFFFFF80] =	vst v26  }
0x10c: {  	v33 =	vperm.xlane v18, v7;
	v19 =	vperm.xlane v18, v8;
	v27 =	vld [tilespmem:s31+$0xFFFFFF90]  }
0x10d: {  	v28 =	vmul.f32 v23, v14;
	vm0 =	veq.s32 v36, v6;
	v26 =	vmul.f32 v30, v12  }
0x10e: {  	v18 =	vperm.xlane v18, v9;
	v23 =	vmul.f32 v25, v15;
	v30 =	vld.idx.msk [tilespmem:v35+s15+$0x0], $0xffff;
	v31 =	vnsel vm0, $0x0, v34  }
0x10f: {  	s16 =	simm.s32 $0x4;
	s0 =	sadd.s32 $0x100, s31;
	s14 =	smov.u32 s2;
	v25 =	vmul.f32 v32, v14;
	vm2 =	vgt.f32 v28, v26;
	vm0 =	veq.s32 v33, v6;
	[tilespmem:s2+$0x10] =	vst v31  }
.LBB2_12:
0x110: {  	p1 =	slt.u32 s16, $0x6  }
0x111: {  	v29 =	vmul.f32 v29, v13;
	v27 =	vnsel vm0, $0x0, v27;
	s2 =	sadd.s32 $0x100, s2;
	s6 =	smov.u32 s16;
	s16 =	sadd.s32 $0x2, s16  }
0x112: {  	[tilespmem:s14+$0xFFFFFF90] =	vst v27;
	v27 =	vld [tilespmem:s31+$0x20]  }
0x113: {  	vm1 =	veq.s32 v18, v6;
	vm4 =	veq.s32 v22, v6;
	vm0 =	veq.s32 v20, v6;
	s8 =	sadd.s32 $0x1, s6;
	v31 =	vld [tilespmem:s31+$0xFFFFFFA0]  }
0x114: {  	vm5 =	veq.s32 v19, v6;
	v18 =	vmov s6;
	v20 =	vmov s8  }
0x115: {  	v18 =	vshll.u32 v18, $0x7;
	v19 =	vshll.u32 v20, $0x7;
	v20 =	vsel vm2, $0x1, v4;
	v21 =	vld.idx.msk [tilespmem:v21+s15+$0x0], $0xffff  }
0x116: {  	vm3 =	vgt.f32 v25, v24;
	v18 =	vand.u32 $0x300, v18;
	v19 =	vand.u32 $0x380, v19  }
0x117: {  	v22 =	vsel vm2, v28, v26;
	v26 =	vmul.f32 v30, v15;
	v19 =	vbroadcast v19, $0x0  }
0x118: {  	v18 =	vbroadcast v18, $0x0;
	v27 =	vnsel vm4, $0x0, v27;
	v28 =	vnsel vm5, $0x0, v31  }
0x119: {  	vm2 =	vgt.f32 v26, v22;
	v30 =	vor.u32 v19, v10;
	v31 =	vor.u32 v19, v11;
	[tilespmem:s14+$0xFFFFFFA0] =	vst v28  }
0x11a: {  	v24 =	vsel vm3, v25, v24;
	v32 =	vor.u32 v18, v11;
	v28 =	vor.u32 v18, v10;
	v25 =	vld [tilespmem:s31+$0xFFFFFFB0];
	[tilespmem:s14+$0x20] =	vst v27  }
0x11b: {  	v33 =	vor.u32 v18, v17;
	v27 =	vor.u32 v18, v16;
	v18 =	vmul.f32 v21, v13;
	v34 =	vld [tilespmem:s31+$0x30];
	s31 =	smov.u32 s0  }
0x11c: {  	vm4 =	vgt.f32 v23, v24;
	v22 =	vsel vm2, v26, v22;
	v20 =	vsel vm2, $0x2, v20;
	v35 =	vld [tilespmem:s0+$0xFFFFFF80]  }
0x11d: {  	v23 =	vsel vm4, v23, v24;
	v21 =	vor.u32 v19, v17;
	vm2 =	vgt.f32 v18, v22;
	v18 =	vld [tilespmem:s0+$0x0]  }
0x11e: {  	v22 =	vsel vm3, $0x1, v4;
	vm3 =	vgt.f32 v29, v23;
	v20 =	vsel vm2, $0x3, v20;
	v31 =	vld.idx.msk [tilespmem:v31+s15+$0x0], $0xffff  }
0x11f: {  	v22 =	vsel vm4, $0x2, v22;
	v24 =	vperm.xlane v20, v5;
	v23 =	vld.idx.msk [tilespmem:v28+s15+$0x0], $0xffff;
	v25 =	vnsel vm1, $0x0, v25  }
0x120: {  	v22 =	vsel vm3, $0x3, v22;
	v26 =	vld.idx.msk [tilespmem:v30+s15+$0x0], $0xffff;
	v30 =	vor.u32 v19, v16;
	[tilespmem:s14+$0xFFFFFFB0] =	vst v25;
	v25 =	vnsel vm0, $0x0, v34  }
0x121: {  	v34 =	vperm.xlane v22, v7;
	vm0 =	veq.s32 v24, v6;
	v28 =	vld.idx.msk [tilespmem:v27+s15+$0x0], $0xffff;
	v27 =	vperm.xlane v22, v5  }
0x122: {  	v36 =	vperm.xlane v20, v7;
	v19 =	vperm.xlane v22, v8;
	v32 =	vld.idx.msk [tilespmem:v32+s15+$0x0], $0xffff;
	v24 =	vnsel vm0, $0x0, v18;
	[tilespmem:s14+$0x30] =	vst v25;
	s14 =	smov.u32 s2  }
0x123: {  	v18 =	vperm.xlane v22, v9;
	v22 =	vperm.xlane v20, v8;
	vm0 =	veq.s32 v27, v6;
	[tilespmem:s2+$0x0] =	vst v24  }
0x124: {  	v20 =	vperm.xlane v20, v9;
	v24 =	vnsel vm0, $0x0, v35;
	v35 =	vld [tilespmem:s0+$0x10]  }
0x125: {  	v29 =	vld.idx.msk [tilespmem:v33+s15+$0x0], $0xffff;
	[tilespmem:s2+$0xFFFFFF80] =	vst v24  }
.Ltmp4:
0x126: {  	v24 =	vmul.f32 v23, v12;
	v26 =	vmul.f32 v26, v12;
	v27 =	vld [tilespmem:s0+$0xFFFFFF90];
	(pc) =	sbr.rel @p1 .LBB2_12-.Ltmp4, $4  }
0x127: {  	_ = 	snop  }
0x128: {  	vm1 =	veq.s32 v36, v6;
	v23 =	vmul.f32 v28, v15;
	v28 =	vmul.f32 v31, v14  }
0x129: {  	vm0 =	veq.s32 v34, v6;
	s0 =	sadd.s32 $0x100, s0;
	v25 =	vmul.f32 v32, v14;
	v31 =	vnsel vm1, $0x0, v35  }
0x12a: {  	vm2 =	vgt.f32 v28, v26;
	v30 =	vld.idx.msk [tilespmem:v30+s15+$0x0], $0xffff;
	[tilespmem:s2+$0x10] =	vst v31  }
0x12b: {  	_ =	sdelay $0x3  }
0x12c: {  	v10 =	vld.idx.msk [tilespmem:v21+s15+$0x0], $0xffff;
	_ =	sdelay $0x1  }
0x12d: {  	vm1 =	vgt.f32 v25, v24;
	v12 =	vmul.f32 v29, v13  }
0x12e: {  	v14 =	vsel vm2, v28, v26;
	v47 =	vsel vm1, v25, v24;
	v11 =	vmul.f32 v30, v15  }
0x12f: {  	v16 =	vsel vm2, $0x1, v4;
	v49 =	vsel vm1, $0x1, v4;
	vm3 =	vgt.f32 v23, v47  }
0x130: {  	v48 =	vsel vm3, v23, v47;
	v10 =	vmul.f32 v10, v13;
	vm13 =	vgt.f32 v11, v14  }
0x131: {  	v17 =	vld [tilespmem:s0+$0xFFFFFF80];
	v50 =	vsel vm3, $0x2, v49;
	vm14 =	vgt.f32 v12, v48;
	v11 =	vsel vm13, v11, v14  }
0x132: {  	v51 =	vsel vm13, $0x2, v16;
	vm15 =	vgt.f32 v10, v11;
	v10 =	vld [tilespmem:s0+$0x0];
	v11 =	vsel vm14, $0x3, v50  }
0x133: {  	v52 =	vsel vm15, $0x3, v51;
	v53 =	vperm.xlane v11, v5  }
0x134: {  	v54 =	vperm.xlane v52, v5  }
0x135: {  	vm4 =	veq.s32 v53, v6  }
0x136: {  	s2 =	sadd.s32 $0x100, s2;
	vm5 =	veq.s32 v54, v6;
	v13 =	vnsel vm4, $0x0, v17  }
0x137: {  	v10 =	vnsel vm5, $0x0, v10;
	[tilespmem:s2+$0xFFFFFF80] =	vst v13  }
0x138: {  	[tilespmem:s2+$0x0] =	vst v10;
	v10 =	vld [tilespmem:s0+$0xFFFFFF90]  }
0x139: {  	v55 =	vld [tilespmem:s0+$0x10]  }
0x13a: {  	v56 =	vperm.xlane v11, v7  }
0x13b: {  	v58 =	vperm.xlane v52, v7  }
0x13c: {  	v57 =	vnsel vm0, $0x0, v27;
	vm6 =	veq.s32 v56, v6  }
0x13d: {  	v60 =	vld [tilespmem:s31+$0x20];
	[tilespmem:s14+$0xFFFFFF90] =	vst v57;
	vm7 =	veq.s32 v58, v6;
	v10 =	vnsel vm6, $0x0, v10  }
0x13e: {  	v59 =	vld [tilespmem:s31+$0xFFFFFFA0];
	v13 =	vnsel vm7, $0x0, v55;
	[tilespmem:s2+$0xFFFFFF90] =	vst v10  }
0x13f: {  	[tilespmem:s2+$0x10] =	vst v13;
	v10 =	vld [tilespmem:s0+$0xFFFFFFA0]  }
0x140: {  	v13 =	vld [tilespmem:s0+$0x20]  }
0x141: {  	vm9 =	veq.s32 v22, v6;
	v61 =	vperm.xlane v11, v8  }
0x142: {  	vm8 =	veq.s32 v19, v6;
	v15 =	vnsel vm9, $0x0, v60;
	v62 =	vperm.xlane v52, v8  }
0x143: {  	[tilespmem:s14+$0x20] =	vst v15;
	v14 =	vnsel vm8, $0x0, v59;
	vm10 =	veq.s32 v61, v6  }
0x144: {  	v15 =	vld [tilespmem:s31+$0x30];
	[tilespmem:s14+$0xFFFFFFA0] =	vst v14;
	vm11 =	veq.s32 v62, v6;
	v10 =	vnsel vm10, $0x0, v10  }
0x145: {  	v14 =	vld [tilespmem:s31+$0xFFFFFFB0];
	v13 =	vnsel vm11, $0x0, v13;
	[tilespmem:s2+$0xFFFFFFA0] =	vst v10  }
0x146: {  	v10 =	vld [tilespmem:s0+$0xFFFFFFB0];
	[tilespmem:s2+$0x20] =	vst v13  }
0x147: {  	s30 =	sadd.s32 $0x1, s30;
	v13 =	vld [tilespmem:s0+$0x30]  }
0x148: {  	p1 =	sne.s32 s30, $0x10;
	vm13 =	veq.s32 v20, v6;
	v11 =	vperm.xlane v11, v9  }
.Ltmp5:
0x149: {  	vm12 =	veq.s32 v18, v6;
	v12 =	vperm.xlane v52, v9;
	v63 =	vnsel vm13, $0x0, v15;
	(pc) =	sbr.rel @p1 .LBB2_11-.Ltmp5, $4  }
0x14a: {  	vm14 =	veq.s32 v11, v6;
	[tilespmem:s14+$0x30] =	vst v63;
	v14 =	vnsel vm12, $0x0, v14  }
0x14b: {  	vm15 =	veq.s32 v12, v6;
	[tilespmem:s14+$0xFFFFFFB0] =	vst v14;
	v10 =	vnsel vm14, $0x0, v10  }
0x14c: {  	[tilespmem:s2+$0xFFFFFFB0] =	vst v10;
	v10 =	vnsel vm15, $0x0, v13  }
0x14d: {  	s29 =	sadd.s32 $0x200, s29;
	p0 =	por !p0, !p0;
	[tilespmem:s2+$0x30] =	vst v10  }
0x14e: {  	s25 =	sadd.s32 $0x1, s25  }
0x14f: {  	p0 =	sne.s32 s25, $0x8  }
.Ltmp6:
0x150: {  	s0 =	sshll.u32 s26, $0x12;
	(pc) =	sbr.rel @p0 .LBB2_6-.Ltmp6, $4  }
0x151: {  	s0 =	sor.u32 s7, s0  }
0x152: {  	s0 =	sshrl.u32 s0, $0x3  }
0x153: {  	s0 =	sadd.s32 s3, s0  }
0x154: {  	[hbm4b:s0+s5] =	stream.linear.scatter [tilespmem:s21], [sflag:$0x6], $0x2000, $0x38;
	[tilespmem:$0xBF80] =	vst v63  }
0x155: {  	s24 =	sadd.s32 $0x1, s24  }
0x156: {  	_ =	swait.ge [sflag:s22], $0x2000;
	p0 =	sne.s32 s24, s12  }
.Ltmp7:
0x157: {  	[sflag:s22] =	ssyncset.done $0x0;
	(pc) =	sbr.rel @p0 .LBB2_1-.Ltmp7, $4  }
0x158: {  	[sflag:s22] =	ssyncadd.s32 $0xFFFFE000  }
0x159: {  	_ =	swait.ge [sflag:s23], $0x2000  }
0x15a: {  	[sflag:s23] =	ssyncset.done $0x0  }
0x15b: {  	[sflag:s23] =	ssyncadd.s32 $0xFFFFE000  }
0x15c: {  	_ =	sfence.sel $0x180000  }
0x15d: {  	[bflag:$0x0] =	sbarrier.arrive $0xFFFF  }
0x15e: {  	_ =	strace $0x90000047  }
0x15f: {  	s0 =	stileid.u32;
	[bflag:$0x2] =	sbarrier.arrive $0xFFFF  }
0x160: {  	p0 =	sne.s32 s0, $0x0;
	s0 =	rddreg [dreg:$0x3]  }
0x161: {  	s0 =	sadd.s32 @!p0 $0x100000, s0  }
0x162: {  	[sflag:s0] =	ssyncadd.tile.s32 @!p0 $0x1;
	_ =	shalt  }
.Lfunc_end2:
_tile_overlayer_lowered:
.L_overlay_start_2:
0x163: {  	(tag) =	ssettag $0x2  }
0x164: {  	s0 =	rddreg [dreg:$0x0];
	s2 =	stileid.u32  }
0x165: {  	s1 =	rddreg [dreg:$0x1];
	p0 =	sne.s32 s2, $0x0  }
0x166: {  	s3 =	rddreg [dreg:$0x2];
	[bflag:$0x3] =	sbarrier.arrive $0xFFFF;
	s2 =	simm.s32 @!p0 $0x1C07  }
0x167: {  	[timem:s3], [sflag:s2] =	dma.local @!p0 [hbm:s0], s1  }
0x168: {  	s0 =	simm.s32 @!p0 $0x7  }
0x169: {  	_ =	swait.ge @!p0 [sflag:s0], s1  }
0x16a: {  	s1 =	ssub.s32 @!p0 $0x0, s1;
	[sflag:s0] =	ssyncset.done @!p0 $0x0  }
0x16b: {  	[sflag:s0] =	ssyncadd.s32 @!p0 s1  }
0x16c: {  	[bflag:$0x3] =	sbarrier.arrive $0xFFFF  }
0x16d: {  	_ =	shalt  }

</sc_bundles>
